<compile_context>
chip_gen: v7x
topology: tpu7x:2x2x1
jax: 0.10.2.dev20260603
libtpu: 0.0.44.dev20260713+nightly
codegen_flags: <defaults>
</compile_context>

<pallas_src>
import functools

import jax
import jax.numpy as jnp
from jax import lax
from jax.experimental import pallas as pl
from jax.experimental.pallas import tpu as pltpu
from jax.experimental.pallas import tpu_sc as plsc

SEQ = 15
N = 3
E = 9
HID = 32
INCH = 512
CLS = 2
LANES = 16


def _adj_sc_body(rsp_hbm, csp_hbm, ewt_hbm, out_hbm, rsp_v, csp_v, ewt_v,
                 out_v):
    f32 = jnp.float32
    wid = lax.axis_index("s") * 2 + lax.axis_index("c")

    @pl.when(wid == 0)
    def _():
        pltpu.sync_copy(rsp_hbm, rsp_v)
        pltpu.sync_copy(csp_hbm, csp_v)
        pltpu.sync_copy(ewt_hbm, ewt_v)
        zero = jnp.zeros((LANES,), f32)
        one = jnp.ones((LANES,), f32)
        W = [zero] * (N * N)
        deg = [zero] * N
        loop = [one] * N
        for e in range(E):
            r_spl = rsp_v[e]
            c_spl = csp_v[e]
            ew_e = ewt_v[e]
            m_self = jnp.where(r_spl == c_spl, one, zero)
            m_row = [jnp.where(r_spl == n, one, zero) for n in range(N)]
            m_col = [jnp.where(c_spl == n, one, zero) for n in range(N)]
            ew_ns = (one - m_self) * ew_e
            for n in range(N):
                deg[n] = deg[n] + m_col[n] * ew_ns
                m = m_self * m_row[n]
                loop[n] = loop[n] * (one - m) + m * ew_e
            for j in range(N * N):
                c, r = j // N, j % N
                W[j] = W[j] + m_col[c] * m_row[r] * ew_ns
        for j in range(N * N):
            out_v[j] = W[j]
        for n in range(N):
            out_v[N * N + n] = deg[n] + loop[n]
            out_v[N * N + N + n] = loop[n]
        out_v[N * N + 2 * N] = zero
        pltpu.sync_copy(out_v, out_hbm)


@functools.cache
def _make_adj_sc():
    return functools.partial(
        pl.kernel,
        out_type=jax.ShapeDtypeStruct((LANES, LANES), jnp.float32),
        mesh=plsc.VectorSubcoreMesh(core_axis_name="c", subcore_axis_name="s"),
        scratch_types=[
            pltpu.VMEM((LANES, LANES), jnp.int32),
            pltpu.VMEM((LANES, LANES), jnp.int32),
            pltpu.VMEM((LANES, LANES), jnp.float32),
            pltpu.VMEM((LANES, LANES), jnp.float32),
        ],
    )(_adj_sc_body)


def _h_tc_kernel(x_ref, w1_ref, out_ref):
    f32 = jnp.float32
    H_t = lax.dot_general(x_ref[...], w1_ref[...], (((1,), (1,)), ((), ())),
                          preferred_element_type=f32,
                          precision=lax.Precision.HIGHEST)
    q_s = lax.broadcasted_iota(jnp.int32, (N * SEQ, N * SEQ), 0)
    k_l = lax.broadcasted_iota(jnp.int32, (N * SEQ, N * SEQ), 1)
    P = (k_l == N * (q_s % SEQ) + q_s // SEQ).astype(f32)
    out_ref[...] = jnp.dot(P, H_t, preferred_element_type=f32)


def _gcn_tc_kernel(adj_ref, h_ref, b1_ref, w2_ref, b2_ref,
                   wl_ref, bl_ref, out_ref):
    f32 = jnp.float32
    adj = adj_ref[...]
    W_T = adj[0:N * N, 0:SEQ]
    deg_T = adj[N * N:N * N + N, 0:SEQ]
    loop_T = adj[N * N + N:N * N + 2 * N, 0:SEQ]
    r0 = lax.rsqrt(deg_T)
    r1 = r0 * (1.5 - 0.5 * deg_T * r0 * r0)
    dinv_T = jnp.where(deg_T > 0, r1, jnp.zeros_like(deg_T))

    dot_nn = lambda a, b: lax.dot_general(a, b, (((1,), (1,)), ((), ())),
                                          preferred_element_type=f32,
                                          precision=lax.Precision.HIGHEST)
    jj = lax.broadcasted_iota(jnp.int32, (N * N, N), 0)
    nn = lax.broadcasted_iota(jnp.int32, (N * N, N), 1)
    Cmap = ((jj // N) == nn).astype(f32)
    Rmap = ((jj % N) == nn).astype(f32)
    mm = lambda a, b: jnp.dot(a, b, preferred_element_type=f32)
    A_T = (mm(Cmap, dinv_T) * mm(Rmap, dinv_T)
           * (W_T + mm(Cmap * Rmap, loop_T)))
    eye9 = (lax.broadcasted_iota(jnp.int32, (N * N, N * N), 0)
            == lax.broadcasted_iota(jnp.int32, (N * N, N * N), 1)).astype(f32)
    A = lax.dot_general(A_T, eye9, (((0,), (0,)), ((), ())),
                        preferred_element_type=f32)

    H = h_ref[...]
    b1 = b1_ref[...].reshape(1, HID)
    h1 = []
    for c in range(N):
        acc = jnp.broadcast_to(b1, (SEQ, HID))
        for r in range(N):
            acc = acc + A[:, N * c + r:N * c + r + 1] * H[SEQ * r:SEQ * (r + 1), :]
        h1.append(jnp.maximum(acc, 0.0))

    G = dot_nn(jnp.concatenate(h1, axis=0), w2_ref[...])
    b2 = b2_ref[...].reshape(1, HID)
    wl = wl_ref[...]
    inv_seq = f32(1.0 / SEQ)
    y = jnp.broadcast_to(bl_ref[...].reshape(1, CLS), (1, CLS))
    for c in range(N):
        acc = jnp.broadcast_to(b2, (SEQ, HID))
        for r in range(N):
            acc = acc + A[:, N * c + r:N * c + r + 1] * G[SEQ * r:SEQ * (r + 1), :]
        pooled = jnp.sum(acc, axis=0, keepdims=True) * inv_seq
        y = y + dot_nn(pooled, wl[:, HID * c:HID * (c + 1)])
    out_ref[...] = y


def kernel(x, edge_index, edge_weight, W1, b1, W2, b2, Wl, bl):
    rsp = jnp.zeros((LANES, LANES), jnp.int32).at[:E, :].set(
        jnp.broadcast_to(edge_index[0][:, None], (E, LANES)))
    csp = jnp.zeros((LANES, LANES), jnp.int32).at[:E, :].set(
        jnp.broadcast_to(edge_index[1][:, None], (E, LANES)))
    ewt_pad = jnp.zeros((LANES, LANES), jnp.float32).at[:E, :SEQ].set(
        edge_weight.T)
    adj = _make_adj_sc()(rsp, csp, ewt_pad)
    H = pl.pallas_call(
        _h_tc_kernel,
        out_shape=jax.ShapeDtypeStruct((N * SEQ, HID), jnp.float32),
    )(x.reshape(N * SEQ, INCH), W1)
    out = pl.pallas_call(
        _gcn_tc_kernel,
        out_shape=jax.ShapeDtypeStruct((1, CLS), jnp.float32),
    )(adj, H, b1, W2, b2, Wl, bl)
    return out.reshape(CLS)

# --- scband reference (transcript-rebuilt; emitter-appended) ---
"""Pipeline reference for scband-gcn-89807766159402 (READ-ONLY COPY).

The authoritative reference and input builder live on the scoring server;
editing this copy changes nothing except your own understanding.
"""

import jax, jax.numpy as jnp
import numpy as np

SEQ_LEN = 15
NUM_NODES = 3
HIDDEN = 32
IN_CH = 512
CLASS_TOTAL = 2
N_EDGES = 9


def setup_inputs(seed: int = 0) -> dict:
    key = jax.random.key(seed)
    ks = jax.random.split(key, 10)
    x = jax.random.normal(ks[0], (SEQ_LEN, NUM_NODES, IN_CH), dtype=jnp.float32)
    edge_index = jax.random.randint(ks[1], (2, N_EDGES), 0, NUM_NODES, dtype=jnp.int32)
    edge_weight = jax.random.uniform(ks[2], (SEQ_LEN, N_EDGES), dtype=jnp.float32)
    W1 = jax.random.normal(ks[3], (HIDDEN, IN_CH), dtype=jnp.float32) * 0.05
    b1 = jax.random.normal(ks[4], (HIDDEN,), dtype=jnp.float32) * 0.05
    W2 = jax.random.normal(ks[5], (HIDDEN, HIDDEN), dtype=jnp.float32) * 0.05
    b2 = jax.random.normal(ks[6], (HIDDEN,), dtype=jnp.float32) * 0.05
    Wl = jax.random.normal(ks[7], (CLASS_TOTAL, HIDDEN * NUM_NODES), dtype=jnp.float32) * 0.05
    bl = jax.random.normal(ks[8], (CLASS_TOTAL,), dtype=jnp.float32) * 0.05
    return {"x": x, "edge_index": edge_index, "edge_weight": edge_weight,
            "W1": W1, "b1": b1, "W2": W2, "b2": b2, "Wl": Wl, "bl": bl}


def gcn_conv(x, edge_index, edge_weight, W, b):
    # Faithful PyG GCNConv (improved=False, add_self_loops=True):
    # gcn_norm with add_remaining_self_loops, then x @ W.T, scatter-add at dst, + bias.
    N = x.shape[0]
    row, col = edge_index[0], edge_index[1]
    mask = row != col
    # add_remaining_self_loops: loop weight = 1.0 (fill), existing self-loop weights preserved
    idx = jnp.where(mask, N, row)
    loop_w = jnp.full((N + 1,), 1.0, dtype=x.dtype).at[idx].set(edge_weight)[:N]
    # zero-out original self-edges (their mass now carried by the loop edges)
    ew = jnp.where(mask, edge_weight, jnp.zeros_like(edge_weight))
    loop_idx = jnp.arange(N, dtype=row.dtype)
    row_f = jnp.concatenate([row, loop_idx])
    col_f = jnp.concatenate([col, loop_idx])
    ew_f = jnp.concatenate([ew, loop_w])
    deg = jnp.zeros((N,), x.dtype).at[col_f].add(ew_f)
    deg_inv_sqrt = jnp.where(deg > 0, deg ** -0.5, jnp.zeros_like(deg))
    norm = deg_inv_sqrt[row_f] * ew_f * deg_inv_sqrt[col_f]
    h = x @ W.T  # lin has no bias in GCNConv
    msg = norm[:, None] * h[row_f]
    out = jnp.zeros((N, W.shape[0]), x.dtype).at[col_f].add(msg)
    return out + b


def reference(x, edge_index, edge_weight, W1, b1, W2, b2, Wl, bl):
    # x already 3-D [SEQ_LEN, num_nodes, in_channels]
    outs = []
    for i in range(SEQ_LEN):
        h = jax.nn.relu(gcn_conv(x[i], edge_index, edge_weight[i], W1, b1))
        h = gcn_conv(h, edge_index, edge_weight[i], W2, b2)
        outs.append(h.reshape(-1))
    out = jnp.stack(outs)                # [SEQ_LEN, num_nodes*HIDDEN] = [15, 96]
    # out.t().squeeze().unsqueeze(1) -> [96,1,15]; AvgPool1d(kernel=15) -> mean over seq -> [96]
    pooled = jnp.mean(out.T, axis=1)     # [96]
    y = pooled @ Wl.T + bl               # [2]
    return y

if __name__ == "__main__":
    import jax
    _d = setup_inputs()
    print(jax.jit(kernel)(*tuple(_d.values())))

</pallas_src>

<mosaic_0001>
#map = affine_map<(d0, d1) -> (0, 0)>
module attributes {stable_mosaic.version = 14 : i64} {
  func.func @_adj_sc_body(%arg0: i32, %arg1: i32, %arg2: memref<16x16xi32, #tpu.memory_space<hbm>>, %arg3: memref<16x16xi32, #tpu.memory_space<hbm>>, %arg4: memref<16x16xf32, #tpu.memory_space<hbm>>, %arg5: memref<16x16xf32, #tpu.memory_space<hbm>>, %arg6: memref<16x16xi32, #tpu.memory_space<vmem>>, %arg7: memref<16x16xi32, #tpu.memory_space<vmem>>, %arg8: memref<16x16xf32, #tpu.memory_space<vmem>>, %arg9: memref<16x16xf32, #tpu.memory_space<vmem>>) attributes {dimension_semantics = [#tpu.dimension_semantics<core_parallel>, #tpu.dimension_semantics<subcore_parallel>], iteration_bounds = array<i64: 2, 16>, scalar_prefetch = 0 : i64, scratch_operands = 4 : i64, tpu.core_type = #tpu.core_type<sc_vector_subcore>, window_params = [{transform_indices = #map}, {transform_indices = #map}, {transform_indices = #map}, {transform_indices = #map}]} {
    %mul3A = arith.constant 2 : i32
    %mul3A_0 = arith.muli %arg1, %mul3A : i32
    %add3A = arith.addi %mul3A_0, %arg0 : i32
    %eq3A = arith.constant 0 : i32
    %eq3A_1 = arith.cmpi eq, %add3A, %eq3A : i32
    %convert_element_type3A = arith.extui %eq3A_1 : i1 to i32
    %cond3A = arith.constant 0 : i32
    %cond3A_2 = arith.cmpi ne, %convert_element_type3A, %cond3A : i32
    scf.if %cond3A_2 {
      "tpu.region"() ({
        %run_scoped3A = tpu.sem_alloc : memref<!tpu.dma_semaphore, #tpu.memory_space<semaphore_mem>>
        tpu.enqueue_dma source(%arg2 : memref<16x16xi32, #tpu.memory_space<hbm>>) target(%arg6 : memref<16x16xi32, #tpu.memory_space<vmem>>) target_semaphore(%run_scoped3A : memref<!tpu.dma_semaphore, #tpu.memory_space<semaphore_mem>>)
        tpu.wait_dma2 semaphore(%run_scoped3A : memref<!tpu.dma_semaphore, #tpu.memory_space<semaphore_mem>>) src(%arg2 : memref<16x16xi32, #tpu.memory_space<hbm>>) dst(%arg6 : memref<16x16xi32, #tpu.memory_space<vmem>>)
        tpu.yield
      }) : () -> ()
      "tpu.region"() ({
        %run_scoped3A = tpu.sem_alloc : memref<!tpu.dma_semaphore, #tpu.memory_space<semaphore_mem>>
        tpu.enqueue_dma source(%arg3 : memref<16x16xi32, #tpu.memory_space<hbm>>) target(%arg7 : memref<16x16xi32, #tpu.memory_space<vmem>>) target_semaphore(%run_scoped3A : memref<!tpu.dma_semaphore, #tpu.memory_space<semaphore_mem>>)
        tpu.wait_dma2 semaphore(%run_scoped3A : memref<!tpu.dma_semaphore, #tpu.memory_space<semaphore_mem>>) src(%arg3 : memref<16x16xi32, #tpu.memory_space<hbm>>) dst(%arg7 : memref<16x16xi32, #tpu.memory_space<vmem>>)
        tpu.yield
      }) : () -> ()
      "tpu.region"() ({
        %run_scoped3A = tpu.sem_alloc : memref<!tpu.dma_semaphore, #tpu.memory_space<semaphore_mem>>
        tpu.enqueue_dma source(%arg4 : memref<16x16xf32, #tpu.memory_space<hbm>>) target(%arg8 : memref<16x16xf32, #tpu.memory_space<vmem>>) target_semaphore(%run_scoped3A : memref<!tpu.dma_semaphore, #tpu.memory_space<semaphore_mem>>)
        tpu.wait_dma2 semaphore(%run_scoped3A : memref<!tpu.dma_semaphore, #tpu.memory_space<semaphore_mem>>) src(%arg4 : memref<16x16xf32, #tpu.memory_space<hbm>>) dst(%arg8 : memref<16x16xf32, #tpu.memory_space<vmem>>)
        tpu.yield
      }) : () -> ()
      %broadcast_in_dim3A = arith.constant 0.000000e+00 : f32
      %broadcast_in_dim3A_3 = vector.broadcast %broadcast_in_dim3A : f32 to vector<16xf32>
      %broadcast_in_dim3A_4 = arith.constant 1.000000e+00 : f32
      %broadcast_in_dim3A_5 = vector.broadcast %broadcast_in_dim3A_4 : f32 to vector<16xf32>
      %get3A = arith.constant 0 : i32
      %get3A_6 = arith.index_cast %get3A : i32 to index
      %get3A_7 = arith.constant 0 : index
      %get3A_8 = tpu.vector_load %arg6[%get3A_6, %get3A_7] {strides = array<i32>} : memref<16x16xi32, #tpu.memory_space<vmem>>, vector<1x16xi32>,
      %get3A_9 = vector.shape_cast %get3A_8 : vector<1x16xi32> to vector<16xi32>
      %get3A_10 = arith.constant 0 : i32
      %get3A_11 = arith.index_cast %get3A_10 : i32 to index
      %get3A_12 = arith.constant 0 : index
      %get3A_13 = tpu.vector_load %arg7[%get3A_11, %get3A_12] {strides = array<i32>} : memref<16x16xi32, #tpu.memory_space<vmem>>, vector<1x16xi32>,
      %get3A_14 = vector.shape_cast %get3A_13 : vector<1x16xi32> to vector<16xi32>
      %get3A_15 = arith.constant 0 : i32
      %get3A_16 = arith.index_cast %get3A_15 : i32 to index
      %get3A_17 = arith.constant 0 : index
      %get3A_18 = tpu.vector_load %arg8[%get3A_16, %get3A_17] {strides = array<i32>} : memref<16x16xf32, #tpu.memory_space<vmem>>, vector<1x16xf32>,
      %get3A_19 = vector.shape_cast %get3A_18 : vector<1x16xf32> to vector<16xf32>
      %eq3A_20 = arith.cmpi eq, %get3A_9, %get3A_14 : vector<16xi32>
      %select_n3A = arith.select %eq3A_20, %broadcast_in_dim3A_5, %broadcast_in_dim3A_3 : vector<16xi1>, vector<16xf32>
      %eq3A_21 = arith.constant 0 : i32
      %eq3A_22 = vector.broadcast %eq3A_21 : i32 to vector<16xi32>
      %eq3A_23 = arith.cmpi eq, %get3A_9, %eq3A_22 : vector<16xi32>
      %select_n3A_24 = arith.select %eq3A_23, %broadcast_in_dim3A_5, %broadcast_in_dim3A_3 : vector<16xi1>, vector<16xf32>
      %eq3A_25 = arith.constant 1 : i32
      %eq3A_26 = vector.broadcast %eq3A_25 : i32 to vector<16xi32>
      %eq3A_27 = arith.cmpi eq, %get3A_9, %eq3A_26 : vector<16xi32>
      %select_n3A_28 = arith.select %eq3A_27, %broadcast_in_dim3A_5, %broadcast_in_dim3A_3 : vector<16xi1>, vector<16xf32>
      %eq3A_29 = arith.constant 2 : i32
      %eq3A_30 = vector.broadcast %eq3A_29 : i32 to vector<16xi32>
      %eq3A_31 = arith.cmpi eq, %get3A_9, %eq3A_30 : vector<16xi32>
      %select_n3A_32 = arith.select %eq3A_31, %broadcast_in_dim3A_5, %broadcast_in_dim3A_3 : vector<16xi1>, vector<16xf32>
      %eq3A_33 = arith.constant 0 : i32
      %eq3A_34 = vector.broadcast %eq3A_33 : i32 to vector<16xi32>
      %eq3A_35 = arith.cmpi eq, %get3A_14, %eq3A_34 : vector<16xi32>
      %select_n3A_36 = arith.select %eq3A_35, %broadcast_in_dim3A_5, %broadcast_in_dim3A_3 : vector<16xi1>, vector<16xf32>
      %eq3A_37 = arith.constant 1 : i32
      %eq3A_38 = vector.broadcast %eq3A_37 : i32 to vector<16xi32>
      %eq3A_39 = arith.cmpi eq, %get3A_14, %eq3A_38 : vector<16xi32>
      %select_n3A_40 = arith.select %eq3A_39, %broadcast_in_dim3A_5, %broadcast_in_dim3A_3 : vector<16xi1>, vector<16xf32>
      %eq3A_41 = arith.constant 2 : i32
      %eq3A_42 = vector.broadcast %eq3A_41 : i32 to vector<16xi32>
      %eq3A_43 = arith.cmpi eq, %get3A_14, %eq3A_42 : vector<16xi32>
      %select_n3A_44 = arith.select %eq3A_43, %broadcast_in_dim3A_5, %broadcast_in_dim3A_3 : vector<16xi1>, vector<16xf32>
      %sub3A = arith.subf %broadcast_in_dim3A_5, %select_n3A : vector<16xf32>
      %mul3A_45 = arith.mulf %sub3A, %get3A_19 : vector<16xf32>
      %mul3A_46 = arith.mulf %select_n3A_36, %mul3A_45 : vector<16xf32>
      %add3A_47 = arith.addf %broadcast_in_dim3A_3, %mul3A_46 : vector<16xf32>
      %mul3A_48 = arith.mulf %select_n3A, %select_n3A_24 : vector<16xf32>
      %sub3A_49 = arith.subf %broadcast_in_dim3A_5, %mul3A_48 : vector<16xf32>
      %mul3A_50 = arith.mulf %broadcast_in_dim3A_5, %sub3A_49 : vector<16xf32>
      %mul3A_51 = arith.mulf %mul3A_48, %get3A_19 : vector<16xf32>
      %add3A_52 = arith.addf %mul3A_50, %mul3A_51 : vector<16xf32>
      %mul3A_53 = arith.mulf %select_n3A_40, %mul3A_45 : vector<16xf32>
      %add3A_54 = arith.addf %broadcast_in_dim3A_3, %mul3A_53 : vector<16xf32>
      %mul3A_55 = arith.mulf %select_n3A, %select_n3A_28 : vector<16xf32>
      %sub3A_56 = arith.subf %broadcast_in_dim3A_5, %mul3A_55 : vector<16xf32>
      %mul3A_57 = arith.mulf %broadcast_in_dim3A_5, %sub3A_56 : vector<16xf32>
      %mul3A_58 = arith.mulf %mul3A_55, %get3A_19 : vector<16xf32>
      %add3A_59 = arith.addf %mul3A_57, %mul3A_58 : vector<16xf32>
      %mul3A_60 = arith.mulf %select_n3A_44, %mul3A_45 : vector<16xf32>
      %add3A_61 = arith.addf %broadcast_in_dim3A_3, %mul3A_60 : vector<16xf32>
      %mul3A_62 = arith.mulf %select_n3A, %select_n3A_32 : vector<16xf32>
      %sub3A_63 = arith.subf %broadcast_in_dim3A_5, %mul3A_62 : vector<16xf32>
      %mul3A_64 = arith.mulf %broadcast_in_dim3A_5, %sub3A_63 : vector<16xf32>
      %mul3A_65 = arith.mulf %mul3A_62, %get3A_19 : vector<16xf32>
      %add3A_66 = arith.addf %mul3A_64, %mul3A_65 : vector<16xf32>
      %mul3A_67 = arith.mulf %select_n3A_36, %select_n3A_24 : vector<16xf32>
      %mul3A_68 = arith.mulf %mul3A_67, %mul3A_45 : vector<16xf32>
      %add3A_69 = arith.addf %broadcast_in_dim3A_3, %mul3A_68 : vector<16xf32>
      %mul3A_70 = arith.mulf %select_n3A_36, %select_n3A_28 : vector<16xf32>
      %mul3A_71 = arith.mulf %mul3A_70, %mul3A_45 : vector<16xf32>
      %add3A_72 = arith.addf %broadcast_in_dim3A_3, %mul3A_71 : vector<16xf32>
      %mul3A_73 = arith.mulf %select_n3A_36, %select_n3A_32 : vector<16xf32>
      %mul3A_74 = arith.mulf %mul3A_73, %mul3A_45 : vector<16xf32>
      %add3A_75 = arith.addf %broadcast_in_dim3A_3, %mul3A_74 : vector<16xf32>
      %mul3A_76 = arith.mulf %select_n3A_40, %select_n3A_24 : vector<16xf32>
      %mul3A_77 = arith.mulf %mul3A_76, %mul3A_45 : vector<16xf32>
      %add3A_78 = arith.addf %broadcast_in_dim3A_3, %mul3A_77 : vector<16xf32>
      %mul3A_79 = arith.mulf %select_n3A_40, %select_n3A_28 : vector<16xf32>
      %mul3A_80 = arith.mulf %mul3A_79, %mul3A_45 : vector<16xf32>
      %add3A_81 = arith.addf %broadcast_in_dim3A_3, %mul3A_80 : vector<16xf32>
      %mul3A_82 = arith.mulf %select_n3A_40, %select_n3A_32 : vector<16xf32>
      %mul3A_83 = arith.mulf %mul3A_82, %mul3A_45 : vector<16xf32>
      %add3A_84 = arith.addf %broadcast_in_dim3A_3, %mul3A_83 : vector<16xf32>
      %mul3A_85 = arith.mulf %select_n3A_44, %select_n3A_24 : vector<16xf32>
      %mul3A_86 = arith.mulf %mul3A_85, %mul3A_45 : vector<16xf32>
      %add3A_87 = arith.addf %broadcast_in_dim3A_3, %mul3A_86 : vector<16xf32>
      %mul3A_88 = arith.mulf %select_n3A_44, %select_n3A_28 : vector<16xf32>
      %mul3A_89 = arith.mulf %mul3A_88, %mul3A_45 : vector<16xf32>
      %add3A_90 = arith.addf %broadcast_in_dim3A_3, %mul3A_89 : vector<16xf32>
      %mul3A_91 = arith.mulf %select_n3A_44, %select_n3A_32 : vector<16xf32>
      %mul3A_92 = arith.mulf %mul3A_91, %mul3A_45 : vector<16xf32>
      %add3A_93 = arith.addf %broadcast_in_dim3A_3, %mul3A_92 : vector<16xf32>
      %get3A_94 = arith.constant 1 : i32
      %get3A_95 = arith.index_cast %get3A_94 : i32 to index
      %get3A_96 = arith.constant 0 : index
      %get3A_97 = tpu.vector_load %arg6[%get3A_95, %get3A_96] {strides = array<i32>} : memref<16x16xi32, #tpu.memory_space<vmem>>, vector<1x16xi32>,
      %get3A_98 = vector.shape_cast %get3A_97 : vector<1x16xi32> to vector<16xi32>
      %get3A_99 = arith.constant 1 : i32
      %get3A_100 = arith.index_cast %get3A_99 : i32 to index
      %get3A_101 = arith.constant 0 : index
      %get3A_102 = tpu.vector_load %arg7[%get3A_100, %get3A_101] {strides = array<i32>} : memref<16x16xi32, #tpu.memory_space<vmem>>, vector<1x16xi32>,
      %get3A_103 = vector.shape_cast %get3A_102 : vector<1x16xi32> to vector<16xi32>
      %get3A_104 = arith.constant 1 : i32
      %get3A_105 = arith.index_cast %get3A_104 : i32 to index
      %get3A_106 = arith.constant 0 : index
      %get3A_107 = tpu.vector_load %arg8[%get3A_105, %get3A_106] {strides = array<i32>} : memref<16x16xf32, #tpu.memory_space<vmem>>, vector<1x16xf32>,
      %get3A_108 = vector.shape_cast %get3A_107 : vector<1x16xf32> to vector<16xf32>
      %eq3A_109 = arith.cmpi eq, %get3A_98, %get3A_103 : vector<16xi32>
      %select_n3A_110 = arith.select %eq3A_109, %broadcast_in_dim3A_5, %broadcast_in_dim3A_3 : vector<16xi1>, vector<16xf32>
      %eq3A_111 = arith.constant 0 : i32
      %eq3A_112 = vector.broadcast %eq3A_111 : i32 to vector<16xi32>
      %eq3A_113 = arith.cmpi eq, %get3A_98, %eq3A_112 : vector<16xi32>
      %select_n3A_114 = arith.select %eq3A_113, %broadcast_in_dim3A_5, %broadcast_in_dim3A_3 : vector<16xi1>, vector<16xf32>
      %eq3A_115 = arith.constant 1 : i32
      %eq3A_116 = vector.broadcast %eq3A_115 : i32 to vector<16xi32>
      %eq3A_117 = arith.cmpi eq, %get3A_98, %eq3A_116 : vector<16xi32>
      %select_n3A_118 = arith.select %eq3A_117, %broadcast_in_dim3A_5, %broadcast_in_dim3A_3 : vector<16xi1>, vector<16xf32>
      %eq3A_119 = arith.constant 2 : i32
      %eq3A_120 = vector.broadcast %eq3A_119 : i32 to vector<16xi32>
      %eq3A_121 = arith.cmpi eq, %get3A_98, %eq3A_120 : vector<16xi32>
      %select_n3A_122 = arith.select %eq3A_121, %broadcast_in_dim3A_5, %broadcast_in_dim3A_3 : vector<16xi1>, vector<16xf32>
      %eq3A_123 = arith.constant 0 : i32
      %eq3A_124 = vector.broadcast %eq3A_123 : i32 to vector<16xi32>
      %eq3A_125 = arith.cmpi eq, %get3A_103, %eq3A_124 : vector<16xi32>
      %select_n3A_126 = arith.select %eq3A_125, %broadcast_in_dim3A_5, %broadcast_in_dim3A_3 : vector<16xi1>, vector<16xf32>
      %eq3A_127 = arith.constant 1 : i32
      %eq3A_128 = vector.broadcast %eq3A_127 : i32 to vector<16xi32>
      %eq3A_129 = arith.cmpi eq, %get3A_103, %eq3A_128 : vector<16xi32>
      %select_n3A_130 = arith.select %eq3A_129, %broadcast_in_dim3A_5, %broadcast_in_dim3A_3 : vector<16xi1>, vector<16xf32>
      %eq3A_131 = arith.constant 2 : i32
      %eq3A_132 = vector.broadcast %eq3A_131 : i32 to vector<16xi32>
      %eq3A_133 = arith.cmpi eq, %get3A_103, %eq3A_132 : vector<16xi32>
      %select_n3A_134 = arith.select %eq3A_133, %broadcast_in_dim3A_5, %broadcast_in_dim3A_3 : vector<16xi1>, vector<16xf32>
      %sub3A_135 = arith.subf %broadcast_in_dim3A_5, %select_n3A_110 : vector<16xf32>
      %mul3A_136 = arith.mulf %sub3A_135, %get3A_108 : vector<16xf32>
      %mul3A_137 = arith.mulf %select_n3A_126, %mul3A_136 : vector<16xf32>
      %add3A_138 = arith.addf %add3A_47, %mul3A_137 : vector<16xf32>
      %mul3A_139 = arith.mulf %select_n3A_110, %select_n3A_114 : vector<16xf32>
      %sub3A_140 = arith.subf %broadcast_in_dim3A_5, %mul3A_139 : vector<16xf32>
      %mul3A_141 = arith.mulf %add3A_52, %sub3A_140 : vector<16xf32>
      %mul3A_142 = arith.mulf %mul3A_139, %get3A_108 : vector<16xf32>
      %add3A_143 = arith.addf %mul3A_141, %mul3A_142 : vector<16xf32>
      %mul3A_144 = arith.mulf %select_n3A_130, %mul3A_136 : vector<16xf32>
      %add3A_145 = arith.addf %add3A_54, %mul3A_144 : vector<16xf32>
      %mul3A_146 = arith.mulf %select_n3A_110, %select_n3A_118 : vector<16xf32>
      %sub3A_147 = arith.subf %broadcast_in_dim3A_5, %mul3A_146 : vector<16xf32>
      %mul3A_148 = arith.mulf %add3A_59, %sub3A_147 : vector<16xf32>
      %mul3A_149 = arith.mulf %mul3A_146, %get3A_108 : vector<16xf32>
      %add3A_150 = arith.addf %mul3A_148, %mul3A_149 : vector<16xf32>
      %mul3A_151 = arith.mulf %select_n3A_134, %mul3A_136 : vector<16xf32>
      %add3A_152 = arith.addf %add3A_61, %mul3A_151 : vector<16xf32>
      %mul3A_153 = arith.mulf %select_n3A_110, %select_n3A_122 : vector<16xf32>
      %sub3A_154 = arith.subf %broadcast_in_dim3A_5, %mul3A_153 : vector<16xf32>
      %mul3A_155 = arith.mulf %add3A_66, %sub3A_154 : vector<16xf32>
      %mul3A_156 = arith.mulf %mul3A_153, %get3A_108 : vector<16xf32>
      %add3A_157 = arith.addf %mul3A_155, %mul3A_156 : vector<16xf32>
      %mul3A_158 = arith.mulf %select_n3A_126, %select_n3A_114 : vector<16xf32>
      %mul3A_159 = arith.mulf %mul3A_158, %mul3A_136 : vector<16xf32>
      %add3A_160 = arith.addf %add3A_69, %mul3A_159 : vector<16xf32>
      %mul3A_161 = arith.mulf %select_n3A_126, %select_n3A_118 : vector<16xf32>
      %mul3A_162 = arith.mulf %mul3A_161, %mul3A_136 : vector<16xf32>
      %add3A_163 = arith.addf %add3A_72, %mul3A_162 : vector<16xf32>
      %mul3A_164 = arith.mulf %select_n3A_126, %select_n3A_122 : vector<16xf32>
      %mul3A_165 = arith.mulf %mul3A_164, %mul3A_136 : vector<16xf32>
      %add3A_166 = arith.addf %add3A_75, %mul3A_165 : vector<16xf32>
      %mul3A_167 = arith.mulf %select_n3A_130, %select_n3A_114 : vector<16xf32>
      %mul3A_168 = arith.mulf %mul3A_167, %mul3A_136 : vector<16xf32>
      %add3A_169 = arith.addf %add3A_78, %mul3A_168 : vector<16xf32>
      %mul3A_170 = arith.mulf %select_n3A_130, %select_n3A_118 : vector<16xf32>
      %mul3A_171 = arith.mulf %mul3A_170, %mul3A_136 : vector<16xf32>
      %add3A_172 = arith.addf %add3A_81, %mul3A_171 : vector<16xf32>
      %mul3A_173 = arith.mulf %select_n3A_130, %select_n3A_122 : vector<16xf32>
      %mul3A_174 = arith.mulf %mul3A_173, %mul3A_136 : vector<16xf32>
      %add3A_175 = arith.addf %add3A_84, %mul3A_174 : vector<16xf32>
      %mul3A_176 = arith.mulf %select_n3A_134, %select_n3A_114 : vector<16xf32>
      %mul3A_177 = arith.mulf %mul3A_176, %mul3A_136 : vector<16xf32>
      %add3A_178 = arith.addf %add3A_87, %mul3A_177 : vector<16xf32>
      %mul3A_179 = arith.mulf %select_n3A_134, %select_n3A_118 : vector<16xf32>
      %mul3A_180 = arith.mulf %mul3A_179, %mul3A_136 : vector<16xf32>
      %add3A_181 = arith.addf %add3A_90, %mul3A_180 : vector<16xf32>
      %mul3A_182 = arith.mulf %select_n3A_134, %select_n3A_122 : vector<16xf32>
      %mul3A_183 = arith.mulf %mul3A_182, %mul3A_136 : vector<16xf32>
      %add3A_184 = arith.addf %add3A_93, %mul3A_183 : vector<16xf32>
      %get3A_185 = arith.constant 2 : i32
      %get3A_186 = arith.index_cast %get3A_185 : i32 to index
      %get3A_187 = arith.constant 0 : index
      %get3A_188 = tpu.vector_load %arg6[%get3A_186, %get3A_187] {strides = array<i32>} : memref<16x16xi32, #tpu.memory_space<vmem>>, vector<1x16xi32>,
      %get3A_189 = vector.shape_cast %get3A_188 : vector<1x16xi32> to vector<16xi32>
      %get3A_190 = arith.constant 2 : i32
      %get3A_191 = arith.index_cast %get3A_190 : i32 to index
      %get3A_192 = arith.constant 0 : index
      %get3A_193 = tpu.vector_load %arg7[%get3A_191, %get3A_192] {strides = array<i32>} : memref<16x16xi32, #tpu.memory_space<vmem>>, vector<1x16xi32>,
      %get3A_194 = vector.shape_cast %get3A_193 : vector<1x16xi32> to vector<16xi32>
      %get3A_195 = arith.constant 2 : i32
      %get3A_196 = arith.index_cast %get3A_195 : i32 to index
      %get3A_197 = arith.constant 0 : index
      %get3A_198 = tpu.vector_load %arg8[%get3A_196, %get3A_197] {strides = array<i32>} : memref<16x16xf32, #tpu.memory_space<vmem>>, vector<1x16xf32>,
      %get3A_199 = vector.shape_cast %get3A_198 : vector<1x16xf32> to vector<16xf32>
      %eq3A_200 = arith.cmpi eq, %get3A_189, %get3A_194 : vector<16xi32>
      %select_n3A_201 = arith.select %eq3A_200, %broadcast_in_dim3A_5, %broadcast_in_dim3A_3 : vector<16xi1>, vector<16xf32>
      %eq3A_202 = arith.constant 0 : i32
      %eq3A_203 = vector.broadcast %eq3A_202 : i32 to vector<16xi32>
      %eq3A_204 = arith.cmpi eq, %get3A_189, %eq3A_203 : vector<16xi32>
      %select_n3A_205 = arith.select %eq3A_204, %broadcast_in_dim3A_5, %broadcast_in_dim3A_3 : vector<16xi1>, vector<16xf32>
      %eq3A_206 = arith.constant 1 : i32
      %eq3A_207 = vector.broadcast %eq3A_206 : i32 to vector<16xi32>
      %eq3A_208 = arith.cmpi eq, %get3A_189, %eq3A_207 : vector<16xi32>
      %select_n3A_209 = arith.select %eq3A_208, %broadcast_in_dim3A_5, %broadcast_in_dim3A_3 : vector<16xi1>, vector<16xf32>
      %eq3A_210 = arith.constant 2 : i32
      %eq3A_211 = vector.broadcast %eq3A_210 : i32 to vector<16xi32>
      %eq3A_212 = arith.cmpi eq, %get3A_189, %eq3A_211 : vector<16xi32>
      %select_n3A_213 = arith.select %eq3A_212, %broadcast_in_dim3A_5, %broadcast_in_dim3A_3 : vector<16xi1>, vector<16xf32>
      %eq3A_214 = arith.constant 0 : i32
      %eq3A_215 = vector.broadcast %eq3A_214 : i32 to vector<16xi32>
      %eq3A_216 = arith.cmpi eq, %get3A_194, %eq3A_215 : vector<16xi32>
      %select_n3A_217 = arith.select %eq3A_216, %broadcast_in_dim3A_5, %broadcast_in_dim3A_3 : vector<16xi1>, vector<16xf32>
      %eq3A_218 = arith.constant 1 : i32
      %eq3A_219 = vector.broadcast %eq3A_218 : i32 to vector<16xi32>
      %eq3A_220 = arith.cmpi eq, %get3A_194, %eq3A_219 : vector<16xi32>
      %select_n3A_221 = arith.select %eq3A_220, %broadcast_in_dim3A_5, %broadcast_in_dim3A_3 : vector<16xi1>, vector<16xf32>
      %eq3A_222 = arith.constant 2 : i32
      %eq3A_223 = vector.broadcast %eq3A_222 : i32 to vector<16xi32>
      %eq3A_224 = arith.cmpi eq, %get3A_194, %eq3A_223 : vector<16xi32>
      %select_n3A_225 = arith.select %eq3A_224, %broadcast_in_dim3A_5, %broadcast_in_dim3A_3 : vector<16xi1>, vector<16xf32>
      %sub3A_226 = arith.subf %broadcast_in_dim3A_5, %select_n3A_201 : vector<16xf32>
      %mul3A_227 = arith.mulf %sub3A_226, %get3A_199 : vector<16xf32>
      %mul3A_228 = arith.mulf %select_n3A_217, %mul3A_227 : vector<16xf32>
      %add3A_229 = arith.addf %add3A_138, %mul3A_228 : vector<16xf32>
      %mul3A_230 = arith.mulf %select_n3A_201, %select_n3A_205 : vector<16xf32>
      %sub3A_231 = arith.subf %broadcast_in_dim3A_5, %mul3A_230 : vector<16xf32>
      %mul3A_232 = arith.mulf %add3A_143, %sub3A_231 : vector<16xf32>
      %mul3A_233 = arith.mulf %mul3A_230, %get3A_199 : vector<16xf32>
      %add3A_234 = arith.addf %mul3A_232, %mul3A_233 : vector<16xf32>
      %mul3A_235 = arith.mulf %select_n3A_221, %mul3A_227 : vector<16xf32>
      %add3A_236 = arith.addf %add3A_145, %mul3A_235 : vector<16xf32>
      %mul3A_237 = arith.mulf %select_n3A_201, %select_n3A_209 : vector<16xf32>
      %sub3A_238 = arith.subf %broadcast_in_dim3A_5, %mul3A_237 : vector<16xf32>
      %mul3A_239 = arith.mulf %add3A_150, %sub3A_238 : vector<16xf32>
      %mul3A_240 = arith.mulf %mul3A_237, %get3A_199 : vector<16xf32>
      %add3A_241 = arith.addf %mul3A_239, %mul3A_240 : vector<16xf32>
      %mul3A_242 = arith.mulf %select_n3A_225, %mul3A_227 : vector<16xf32>
      %add3A_243 = arith.addf %add3A_152, %mul3A_242 : vector<16xf32>
      %mul3A_244 = arith.mulf %select_n3A_201, %select_n3A_213 : vector<16xf32>
      %sub3A_245 = arith.subf %broadcast_in_dim3A_5, %mul3A_244 : vector<16xf32>
      %mul3A_246 = arith.mulf %add3A_157, %sub3A_245 : vector<16xf32>
      %mul3A_247 = arith.mulf %mul3A_244, %get3A_199 : vector<16xf32>
      %add3A_248 = arith.addf %mul3A_246, %mul3A_247 : vector<16xf32>
      %mul3A_249 = arith.mulf %select_n3A_217, %select_n3A_205 : vector<16xf32>
      %mul3A_250 = arith.mulf %mul3A_249, %mul3A_227 : vector<16xf32>
      %add3A_251 = arith.addf %add3A_160, %mul3A_250 : vector<16xf32>
      %mul3A_252 = arith.mulf %select_n3A_217, %select_n3A_209 : vector<16xf32>
      %mul3A_253 = arith.mulf %mul3A_252, %mul3A_227 : vector<16xf32>
      %add3A_254 = arith.addf %add3A_163, %mul3A_253 : vector<16xf32>
      %mul3A_255 = arith.mulf %select_n3A_217, %select_n3A_213 : vector<16xf32>
      %mul3A_256 = arith.mulf %mul3A_255, %mul3A_227 : vector<16xf32>
      %add3A_257 = arith.addf %add3A_166, %mul3A_256 : vector<16xf32>
      %mul3A_258 = arith.mulf %select_n3A_221, %select_n3A_205 : vector<16xf32>
      %mul3A_259 = arith.mulf %mul3A_258, %mul3A_227 : vector<16xf32>
      %add3A_260 = arith.addf %add3A_169, %mul3A_259 : vector<16xf32>
      %mul3A_261 = arith.mulf %select_n3A_221, %select_n3A_209 : vector<16xf32>
      %mul3A_262 = arith.mulf %mul3A_261, %mul3A_227 : vector<16xf32>
      %add3A_263 = arith.addf %add3A_172, %mul3A_262 : vector<16xf32>
      %mul3A_264 = arith.mulf %select_n3A_221, %select_n3A_213 : vector<16xf32>
      %mul3A_265 = arith.mulf %mul3A_264, %mul3A_227 : vector<16xf32>
      %add3A_266 = arith.addf %add3A_175, %mul3A_265 : vector<16xf32>
      %mul3A_267 = arith.mulf %select_n3A_225, %select_n3A_205 : vector<16xf32>
      %mul3A_268 = arith.mulf %mul3A_267, %mul3A_227 : vector<16xf32>
      %add3A_269 = arith.addf %add3A_178, %mul3A_268 : vector<16xf32>
      %mul3A_270 = arith.mulf %select_n3A_225, %select_n3A_209 : vector<16xf32>
      %mul3A_271 = arith.mulf %mul3A_270, %mul3A_227 : vector<16xf32>
      %add3A_272 = arith.addf %add3A_181, %mul3A_271 : vector<16xf32>
      %mul3A_273 = arith.mulf %select_n3A_225, %select_n3A_213 : vector<16xf32>
      %mul3A_274 = arith.mulf %mul3A_273, %mul3A_227 : vector<16xf32>
      %add3A_275 = arith.addf %add3A_184, %mul3A_274 : vector<16xf32>
      %get3A_276 = arith.constant 3 : i32
      %get3A_277 = arith.index_cast %get3A_276 : i32 to index
      %get3A_278 = arith.constant 0 : index
      %get3A_279 = tpu.vector_load %arg6[%get3A_277, %get3A_278] {strides = array<i32>} : memref<16x16xi32, #tpu.memory_space<vmem>>, vector<1x16xi32>,
      %get3A_280 = vector.shape_cast %get3A_279 : vector<1x16xi32> to vector<16xi32>
      %get3A_281 = arith.constant 3 : i32
      %get3A_282 = arith.index_cast %get3A_281 : i32 to index
      %get3A_283 = arith.constant 0 : index
      %get3A_284 = tpu.vector_load %arg7[%get3A_282, %get3A_283] {strides = array<i32>} : memref<16x16xi32, #tpu.memory_space<vmem>>, vector<1x16xi32>,
      %get3A_285 = vector.shape_cast %get3A_284 : vector<1x16xi32> to vector<16xi32>
      %get3A_286 = arith.constant 3 : i32
      %get3A_287 = arith.index_cast %get3A_286 : i32 to index
      %get3A_288 = arith.constant 0 : index
      %get3A_289 = tpu.vector_load %arg8[%get3A_287, %get3A_288] {strides = array<i32>} : memref<16x16xf32, #tpu.memory_space<vmem>>, vector<1x16xf32>,
      %get3A_290 = vector.shape_cast %get3A_289 : vector<1x16xf32> to vector<16xf32>
      %eq3A_291 = arith.cmpi eq, %get3A_280, %get3A_285 : vector<16xi32>
      %select_n3A_292 = arith.select %eq3A_291, %broadcast_in_dim3A_5, %broadcast_in_dim3A_3 : vector<16xi1>, vector<16xf32>
      %eq3A_293 = arith.constant 0 : i32
      %eq3A_294 = vector.broadcast %eq3A_293 : i32 to vector<16xi32>
      %eq3A_295 = arith.cmpi eq, %get3A_280, %eq3A_294 : vector<16xi32>
      %select_n3A_296 = arith.select %eq3A_295, %broadcast_in_dim3A_5, %broadcast_in_dim3A_3 : vector<16xi1>, vector<16xf32>
      %eq3A_297 = arith.constant 1 : i32
      %eq3A_298 = vector.broadcast %eq3A_297 : i32 to vector<16xi32>
      %eq3A_299 = arith.cmpi eq, %get3A_280, %eq3A_298 : vector<16xi32>
      %select_n3A_300 = arith.select %eq3A_299, %broadcast_in_dim3A_5, %broadcast_in_dim3A_3 : vector<16xi1>, vector<16xf32>
      %eq3A_301 = arith.constant 2 : i32
      %eq3A_302 = vector.broadcast %eq3A_301 : i32 to vector<16xi32>
      %eq3A_303 = arith.cmpi eq, %get3A_280, %eq3A_302 : vector<16xi32>
      %select_n3A_304 = arith.select %eq3A_303, %broadcast_in_dim3A_5, %broadcast_in_dim3A_3 : vector<16xi1>, vector<16xf32>
      %eq3A_305 = arith.constant 0 : i32
      %eq3A_306 = vector.broadcast %eq3A_305 : i32 to vector<16xi32>
      %eq3A_307 = arith.cmpi eq, %get3A_285, %eq3A_306 : vector<16xi32>
      %select_n3A_308 = arith.select %eq3A_307, %broadcast_in_dim3A_5, %broadcast_in_dim3A_3 : vector<16xi1>, vector<16xf32>
      %eq3A_309 = arith.constant 1 : i32
      %eq3A_310 = vector.broadcast %eq3A_309 : i32 to vector<16xi32>
      %eq3A_311 = arith.cmpi eq, %get3A_285, %eq3A_310 : vector<16xi32>
      %select_n3A_312 = arith.select %eq3A_311, %broadcast_in_dim3A_5, %broadcast_in_dim3A_3 : vector<16xi1>, vector<16xf32>
      %eq3A_313 = arith.constant 2 : i32
      %eq3A_314 = vector.broadcast %eq3A_313 : i32 to vector<16xi32>
      %eq3A_315 = arith.cmpi eq, %get3A_285, %eq3A_314 : vector<16xi32>
      %select_n3A_316 = arith.select %eq3A_315, %broadcast_in_dim3A_5, %broadcast_in_dim3A_3 : vector<16xi1>, vector<16xf32>
      %sub3A_317 = arith.subf %broadcast_in_dim3A_5, %select_n3A_292 : vector<16xf32>
      %mul3A_318 = arith.mulf %sub3A_317, %get3A_290 : vector<16xf32>
      %mul3A_319 = arith.mulf %select_n3A_308, %mul3A_318 : vector<16xf32>
      %add3A_320 = arith.addf %add3A_229, %mul3A_319 : vector<16xf32>
      %mul3A_321 = arith.mulf %select_n3A_292, %select_n3A_296 : vector<16xf32>
      %sub3A_322 = arith.subf %broadcast_in_dim3A_5, %mul3A_321 : vector<16xf32>
      %mul3A_323 = arith.mulf %add3A_234, %sub3A_322 : vector<16xf32>
      %mul3A_324 = arith.mulf %mul3A_321, %get3A_290 : vector<16xf32>
      %add3A_325 = arith.addf %mul3A_323, %mul3A_324 : vector<16xf32>
      %mul3A_326 = arith.mulf %select_n3A_312, %mul3A_318 : vector<16xf32>
      %add3A_327 = arith.addf %add3A_236, %mul3A_326 : vector<16xf32>
      %mul3A_328 = arith.mulf %select_n3A_292, %select_n3A_300 : vector<16xf32>
      %sub3A_329 = arith.subf %broadcast_in_dim3A_5, %mul3A_328 : vector<16xf32>
      %mul3A_330 = arith.mulf %add3A_241, %sub3A_329 : vector<16xf32>
      %mul3A_331 = arith.mulf %mul3A_328, %get3A_290 : vector<16xf32>
      %add3A_332 = arith.addf %mul3A_330, %mul3A_331 : vector<16xf32>
      %mul3A_333 = arith.mulf %select_n3A_316, %mul3A_318 : vector<16xf32>
      %add3A_334 = arith.addf %add3A_243, %mul3A_333 : vector<16xf32>
      %mul3A_335 = arith.mulf %select_n3A_292, %select_n3A_304 : vector<16xf32>
      %sub3A_336 = arith.subf %broadcast_in_dim3A_5, %mul3A_335 : vector<16xf32>
      %mul3A_337 = arith.mulf %add3A_248, %sub3A_336 : vector<16xf32>
      %mul3A_338 = arith.mulf %mul3A_335, %get3A_290 : vector<16xf32>
      %add3A_339 = arith.addf %mul3A_337, %mul3A_338 : vector<16xf32>
      %mul3A_340 = arith.mulf %select_n3A_308, %select_n3A_296 : vector<16xf32>
      %mul3A_341 = arith.mulf %mul3A_340, %mul3A_318 : vector<16xf32>
      %add3A_342 = arith.addf %add3A_251, %mul3A_341 : vector<16xf32>
      %mul3A_343 = arith.mulf %select_n3A_308, %select_n3A_300 : vector<16xf32>
      %mul3A_344 = arith.mulf %mul3A_343, %mul3A_318 : vector<16xf32>
      %add3A_345 = arith.addf %add3A_254, %mul3A_344 : vector<16xf32>
      %mul3A_346 = arith.mulf %select_n3A_308, %select_n3A_304 : vector<16xf32>
      %mul3A_347 = arith.mulf %mul3A_346, %mul3A_318 : vector<16xf32>
      %add3A_348 = arith.addf %add3A_257, %mul3A_347 : vector<16xf32>
      %mul3A_349 = arith.mulf %select_n3A_312, %select_n3A_296 : vector<16xf32>
      %mul3A_350 = arith.mulf %mul3A_349, %mul3A_318 : vector<16xf32>
      %add3A_351 = arith.addf %add3A_260, %mul3A_350 : vector<16xf32>
      %mul3A_352 = arith.mulf %select_n3A_312, %select_n3A_300 : vector<16xf32>
      %mul3A_353 = arith.mulf %mul3A_352, %mul3A_318 : vector<16xf32>
      %add3A_354 = arith.addf %add3A_263, %mul3A_353 : vector<16xf32>
      %mul3A_355 = arith.mulf %select_n3A_312, %select_n3A_304 : vector<16xf32>
      %mul3A_356 = arith.mulf %mul3A_355, %mul3A_318 : vector<16xf32>
      %add3A_357 = arith.addf %add3A_266, %mul3A_356 : vector<16xf32>
      %mul3A_358 = arith.mulf %select_n3A_316, %select_n3A_296 : vector<16xf32>
      %mul3A_359 = arith.mulf %mul3A_358, %mul3A_318 : vector<16xf32>
      %add3A_360 = arith.addf %add3A_269, %mul3A_359 : vector<16xf32>
      %mul3A_361 = arith.mulf %select_n3A_316, %select_n3A_300 : vector<16xf32>
      %mul3A_362 = arith.mulf %mul3A_361, %mul3A_318 : vector<16xf32>
      %add3A_363 = arith.addf %add3A_272, %mul3A_362 : vector<16xf32>
      %mul3A_364 = arith.mulf %select_n3A_316, %select_n3A_304 : vector<16xf32>
      %mul3A_365 = arith.mulf %mul3A_364, %mul3A_318 : vector<16xf32>
      %add3A_366 = arith.addf %add3A_275, %mul3A_365 : vector<16xf32>
      %get3A_367 = arith.constant 4 : i32
      %get3A_368 = arith.index_cast %get3A_367 : i32 to index
      %get3A_369 = arith.constant 0 : index
      %get3A_370 = tpu.vector_load %arg6[%get3A_368, %get3A_369] {strides = array<i32>} : memref<16x16xi32, #tpu.memory_space<vmem>>, vector<1x16xi32>,
      %get3A_371 = vector.shape_cast %get3A_370 : vector<1x16xi32> to vector<16xi32>
      %get3A_372 = arith.constant 4 : i32
      %get3A_373 = arith.index_cast %get3A_372 : i32 to index
      %get3A_374 = arith.constant 0 : index
      %get3A_375 = tpu.vector_load %arg7[%get3A_373, %get3A_374] {strides = array<i32>} : memref<16x16xi32, #tpu.memory_space<vmem>>, vector<1x16xi32>,
      %get3A_376 = vector.shape_cast %get3A_375 : vector<1x16xi32> to vector<16xi32>
      %get3A_377 = arith.constant 4 : i32
      %get3A_378 = arith.index_cast %get3A_377 : i32 to index
      %get3A_379 = arith.constant 0 : index
      %get3A_380 = tpu.vector_load %arg8[%get3A_378, %get3A_379] {strides = array<i32>} : memref<16x16xf32, #tpu.memory_space<vmem>>, vector<1x16xf32>,
      %get3A_381 = vector.shape_cast %get3A_380 : vector<1x16xf32> to vector<16xf32>
      %eq3A_382 = arith.cmpi eq, %get3A_371, %get3A_376 : vector<16xi32>
      %select_n3A_383 = arith.select %eq3A_382, %broadcast_in_dim3A_5, %broadcast_in_dim3A_3 : vector<16xi1>, vector<16xf32>
      %eq3A_384 = arith.constant 0 : i32
      %eq3A_385 = vector.broadcast %eq3A_384 : i32 to vector<16xi32>
      %eq3A_386 = arith.cmpi eq, %get3A_371, %eq3A_385 : vector<16xi32>
      %select_n3A_387 = arith.select %eq3A_386, %broadcast_in_dim3A_5, %broadcast_in_dim3A_3 : vector<16xi1>, vector<16xf32>
      %eq3A_388 = arith.constant 1 : i32
      %eq3A_389 = vector.broadcast %eq3A_388 : i32 to vector<16xi32>
      %eq3A_390 = arith.cmpi eq, %get3A_371, %eq3A_389 : vector<16xi32>
      %select_n3A_391 = arith.select %eq3A_390, %broadcast_in_dim3A_5, %broadcast_in_dim3A_3 : vector<16xi1>, vector<16xf32>
      %eq3A_392 = arith.constant 2 : i32
      %eq3A_393 = vector.broadcast %eq3A_392 : i32 to vector<16xi32>
      %eq3A_394 = arith.cmpi eq, %get3A_371, %eq3A_393 : vector<16xi32>
      %select_n3A_395 = arith.select %eq3A_394, %broadcast_in_dim3A_5, %broadcast_in_dim3A_3 : vector<16xi1>, vector<16xf32>
      %eq3A_396 = arith.constant 0 : i32
      %eq3A_397 = vector.broadcast %eq3A_396 : i32 to vector<16xi32>
      %eq3A_398 = arith.cmpi eq, %get3A_376, %eq3A_397 : vector<16xi32>
      %select_n3A_399 = arith.select %eq3A_398, %broadcast_in_dim3A_5, %broadcast_in_dim3A_3 : vector<16xi1>, vector<16xf32>
      %eq3A_400 = arith.constant 1 : i32
      %eq3A_401 = vector.broadcast %eq3A_400 : i32 to vector<16xi32>
      %eq3A_402 = arith.cmpi eq, %get3A_376, %eq3A_401 : vector<16xi32>
      %select_n3A_403 = arith.select %eq3A_402, %broadcast_in_dim3A_5, %broadcast_in_dim3A_3 : vector<16xi1>, vector<16xf32>
      %eq3A_404 = arith.constant 2 : i32
      %eq3A_405 = vector.broadcast %eq3A_404 : i32 to vector<16xi32>
      %eq3A_406 = arith.cmpi eq, %get3A_376, %eq3A_405 : vector<16xi32>
      %select_n3A_407 = arith.select %eq3A_406, %broadcast_in_dim3A_5, %broadcast_in_dim3A_3 : vector<16xi1>, vector<16xf32>
      %sub3A_408 = arith.subf %broadcast_in_dim3A_5, %select_n3A_383 : vector<16xf32>
      %mul3A_409 = arith.mulf %sub3A_408, %get3A_381 : vector<16xf32>
      %mul3A_410 = arith.mulf %select_n3A_399, %mul3A_409 : vector<16xf32>
      %add3A_411 = arith.addf %add3A_320, %mul3A_410 : vector<16xf32>
      %mul3A_412 = arith.mulf %select_n3A_383, %select_n3A_387 : vector<16xf32>
      %sub3A_413 = arith.subf %broadcast_in_dim3A_5, %mul3A_412 : vector<16xf32>
      %mul3A_414 = arith.mulf %add3A_325, %sub3A_413 : vector<16xf32>
      %mul3A_415 = arith.mulf %mul3A_412, %get3A_381 : vector<16xf32>
      %add3A_416 = arith.addf %mul3A_414, %mul3A_415 : vector<16xf32>
      %mul3A_417 = arith.mulf %select_n3A_403, %mul3A_409 : vector<16xf32>
      %add3A_418 = arith.addf %add3A_327, %mul3A_417 : vector<16xf32>
      %mul3A_419 = arith.mulf %select_n3A_383, %select_n3A_391 : vector<16xf32>
      %sub3A_420 = arith.subf %broadcast_in_dim3A_5, %mul3A_419 : vector<16xf32>
      %mul3A_421 = arith.mulf %add3A_332, %sub3A_420 : vector<16xf32>
      %mul3A_422 = arith.mulf %mul3A_419, %get3A_381 : vector<16xf32>
      %add3A_423 = arith.addf %mul3A_421, %mul3A_422 : vector<16xf32>
      %mul3A_424 = arith.mulf %select_n3A_407, %mul3A_409 : vector<16xf32>
      %add3A_425 = arith.addf %add3A_334, %mul3A_424 : vector<16xf32>
      %mul3A_426 = arith.mulf %select_n3A_383, %select_n3A_395 : vector<16xf32>
      %sub3A_427 = arith.subf %broadcast_in_dim3A_5, %mul3A_426 : vector<16xf32>
      %mul3A_428 = arith.mulf %add3A_339, %sub3A_427 : vector<16xf32>
      %mul3A_429 = arith.mulf %mul3A_426, %get3A_381 : vector<16xf32>
      %add3A_430 = arith.addf %mul3A_428, %mul3A_429 : vector<16xf32>
      %mul3A_431 = arith.mulf %select_n3A_399, %select_n3A_387 : vector<16xf32>
      %mul3A_432 = arith.mulf %mul3A_431, %mul3A_409 : vector<16xf32>
      %add3A_433 = arith.addf %add3A_342, %mul3A_432 : vector<16xf32>
      %mul3A_434 = arith.mulf %select_n3A_399, %select_n3A_391 : vector<16xf32>
      %mul3A_435 = arith.mulf %mul3A_434, %mul3A_409 : vector<16xf32>
      %add3A_436 = arith.addf %add3A_345, %mul3A_435 : vector<16xf32>
      %mul3A_437 = arith.mulf %select_n3A_399, %select_n3A_395 : vector<16xf32>
      %mul3A_438 = arith.mulf %mul3A_437, %mul3A_409 : vector<16xf32>
      %add3A_439 = arith.addf %add3A_348, %mul3A_438 : vector<16xf32>
      %mul3A_440 = arith.mulf %select_n3A_403, %select_n3A_387 : vector<16xf32>
      %mul3A_441 = arith.mulf %mul3A_440, %mul3A_409 : vector<16xf32>
      %add3A_442 = arith.addf %add3A_351, %mul3A_441 : vector<16xf32>
      %mul3A_443 = arith.mulf %select_n3A_403, %select_n3A_391 : vector<16xf32>
      %mul3A_444 = arith.mulf %mul3A_443, %mul3A_409 : vector<16xf32>
      %add3A_445 = arith.addf %add3A_354, %mul3A_444 : vector<16xf32>
      %mul3A_446 = arith.mulf %select_n3A_403, %select_n3A_395 : vector<16xf32>
      %mul3A_447 = arith.mulf %mul3A_446, %mul3A_409 : vector<16xf32>
      %add3A_448 = arith.addf %add3A_357, %mul3A_447 : vector<16xf32>
      %mul3A_449 = arith.mulf %select_n3A_407, %select_n3A_387 : vector<16xf32>
      %mul3A_450 = arith.mulf %mul3A_449, %mul3A_409 : vector<16xf32>
      %add3A_451 = arith.addf %add3A_360, %mul3A_450 : vector<16xf32>
      %mul3A_452 = arith.mulf %select_n3A_407, %select_n3A_391 : vector<16xf32>
      %mul3A_453 = arith.mulf %mul3A_452, %mul3A_409 : vector<16xf32>
      %add3A_454 = arith.addf %add3A_363, %mul3A_453 : vector<16xf32>
      %mul3A_455 = arith.mulf %select_n3A_407, %select_n3A_395 : vector<16xf32>
      %mul3A_456 = arith.mulf %mul3A_455, %mul3A_409 : vector<16xf32>
      %add3A_457 = arith.addf %add3A_366, %mul3A_456 : vector<16xf32>
      %get3A_458 = arith.constant 5 : i32
      %get3A_459 = arith.index_cast %get3A_458 : i32 to index
      %get3A_460 = arith.constant 0 : index
      %get3A_461 = tpu.vector_load %arg6[%get3A_459, %get3A_460] {strides = array<i32>} : memref<16x16xi32, #tpu.memory_space<vmem>>, vector<1x16xi32>,
      %get3A_462 = vector.shape_cast %get3A_461 : vector<1x16xi32> to vector<16xi32>
      %get3A_463 = arith.constant 5 : i32
      %get3A_464 = arith.index_cast %get3A_463 : i32 to index
      %get3A_465 = arith.constant 0 : index
      %get3A_466 = tpu.vector_load %arg7[%get3A_464, %get3A_465] {strides = array<i32>} : memref<16x16xi32, #tpu.memory_space<vmem>>, vector<1x16xi32>,
      %get3A_467 = vector.shape_cast %get3A_466 : vector<1x16xi32> to vector<16xi32>
      %get3A_468 = arith.constant 5 : i32
      %get3A_469 = arith.index_cast %get3A_468 : i32 to index
      %get3A_470 = arith.constant 0 : index
      %get3A_471 = tpu.vector_load %arg8[%get3A_469, %get3A_470] {strides = array<i32>} : memref<16x16xf32, #tpu.memory_space<vmem>>, vector<1x16xf32>,
      %get3A_472 = vector.shape_cast %get3A_471 : vector<1x16xf32> to vector<16xf32>
      %eq3A_473 = arith.cmpi eq, %get3A_462, %get3A_467 : vector<16xi32>
      %select_n3A_474 = arith.select %eq3A_473, %broadcast_in_dim3A_5, %broadcast_in_dim3A_3 : vector<16xi1>, vector<16xf32>
      %eq3A_475 = arith.constant 0 : i32
      %eq3A_476 = vector.broadcast %eq3A_475 : i32 to vector<16xi32>
      %eq3A_477 = arith.cmpi eq, %get3A_462, %eq3A_476 : vector<16xi32>
      %select_n3A_478 = arith.select %eq3A_477, %broadcast_in_dim3A_5, %broadcast_in_dim3A_3 : vector<16xi1>, vector<16xf32>
      %eq3A_479 = arith.constant 1 : i32
      %eq3A_480 = vector.broadcast %eq3A_479 : i32 to vector<16xi32>
      %eq3A_481 = arith.cmpi eq, %get3A_462, %eq3A_480 : vector<16xi32>
      %select_n3A_482 = arith.select %eq3A_481, %broadcast_in_dim3A_5, %broadcast_in_dim3A_3 : vector<16xi1>, vector<16xf32>
      %eq3A_483 = arith.constant 2 : i32
      %eq3A_484 = vector.broadcast %eq3A_483 : i32 to vector<16xi32>
      %eq3A_485 = arith.cmpi eq, %get3A_462, %eq3A_484 : vector<16xi32>
      %select_n3A_486 = arith.select %eq3A_485, %broadcast_in_dim3A_5, %broadcast_in_dim3A_3 : vector<16xi1>, vector<16xf32>
      %eq3A_487 = arith.constant 0 : i32
      %eq3A_488 = vector.broadcast %eq3A_487 : i32 to vector<16xi32>
      %eq3A_489 = arith.cmpi eq, %get3A_467, %eq3A_488 : vector<16xi32>
      %select_n3A_490 = arith.select %eq3A_489, %broadcast_in_dim3A_5, %broadcast_in_dim3A_3 : vector<16xi1>, vector<16xf32>
      %eq3A_491 = arith.constant 1 : i32
      %eq3A_492 = vector.broadcast %eq3A_491 : i32 to vector<16xi32>
      %eq3A_493 = arith.cmpi eq, %get3A_467, %eq3A_492 : vector<16xi32>
      %select_n3A_494 = arith.select %eq3A_493, %broadcast_in_dim3A_5, %broadcast_in_dim3A_3 : vector<16xi1>, vector<16xf32>
      %eq3A_495 = arith.constant 2 : i32
      %eq3A_496 = vector.broadcast %eq3A_495 : i32 to vector<16xi32>
      %eq3A_497 = arith.cmpi eq, %get3A_467, %eq3A_496 : vector<16xi32>
      %select_n3A_498 = arith.select %eq3A_497, %broadcast_in_dim3A_5, %broadcast_in_dim3A_3 : vector<16xi1>, vector<16xf32>
      %sub3A_499 = arith.subf %broadcast_in_dim3A_5, %select_n3A_474 : vector<16xf32>
      %mul3A_500 = arith.mulf %sub3A_499, %get3A_472 : vector<16xf32>
      %mul3A_501 = arith.mulf %select_n3A_490, %mul3A_500 : vector<16xf32>
      %add3A_502 = arith.addf %add3A_411, %mul3A_501 : vector<16xf32>
      %mul3A_503 = arith.mulf %select_n3A_474, %select_n3A_478 : vector<16xf32>
      %sub3A_504 = arith.subf %broadcast_in_dim3A_5, %mul3A_503 : vector<16xf32>
      %mul3A_505 = arith.mulf %add3A_416, %sub3A_504 : vector<16xf32>
      %mul3A_506 = arith.mulf %mul3A_503, %get3A_472 : vector<16xf32>
      %add3A_507 = arith.addf %mul3A_505, %mul3A_506 : vector<16xf32>
      %mul3A_508 = arith.mulf %select_n3A_494, %mul3A_500 : vector<16xf32>
      %add3A_509 = arith.addf %add3A_418, %mul3A_508 : vector<16xf32>
      %mul3A_510 = arith.mulf %select_n3A_474, %select_n3A_482 : vector<16xf32>
      %sub3A_511 = arith.subf %broadcast_in_dim3A_5, %mul3A_510 : vector<16xf32>
      %mul3A_512 = arith.mulf %add3A_423, %sub3A_511 : vector<16xf32>
      %mul3A_513 = arith.mulf %mul3A_510, %get3A_472 : vector<16xf32>
      %add3A_514 = arith.addf %mul3A_512, %mul3A_513 : vector<16xf32>
      %mul3A_515 = arith.mulf %select_n3A_498, %mul3A_500 : vector<16xf32>
      %add3A_516 = arith.addf %add3A_425, %mul3A_515 : vector<16xf32>
      %mul3A_517 = arith.mulf %select_n3A_474, %select_n3A_486 : vector<16xf32>
      %sub3A_518 = arith.subf %broadcast_in_dim3A_5, %mul3A_517 : vector<16xf32>
      %mul3A_519 = arith.mulf %add3A_430, %sub3A_518 : vector<16xf32>
      %mul3A_520 = arith.mulf %mul3A_517, %get3A_472 : vector<16xf32>
      %add3A_521 = arith.addf %mul3A_519, %mul3A_520 : vector<16xf32>
      %mul3A_522 = arith.mulf %select_n3A_490, %select_n3A_478 : vector<16xf32>
      %mul3A_523 = arith.mulf %mul3A_522, %mul3A_500 : vector<16xf32>
      %add3A_524 = arith.addf %add3A_433, %mul3A_523 : vector<16xf32>
      %mul3A_525 = arith.mulf %select_n3A_490, %select_n3A_482 : vector<16xf32>
      %mul3A_526 = arith.mulf %mul3A_525, %mul3A_500 : vector<16xf32>
      %add3A_527 = arith.addf %add3A_436, %mul3A_526 : vector<16xf32>
      %mul3A_528 = arith.mulf %select_n3A_490, %select_n3A_486 : vector<16xf32>
      %mul3A_529 = arith.mulf %mul3A_528, %mul3A_500 : vector<16xf32>
      %add3A_530 = arith.addf %add3A_439, %mul3A_529 : vector<16xf32>
      %mul3A_531 = arith.mulf %select_n3A_494, %select_n3A_478 : vector<16xf32>
      %mul3A_532 = arith.mulf %mul3A_531, %mul3A_500 : vector<16xf32>
      %add3A_533 = arith.addf %add3A_442, %mul3A_532 : vector<16xf32>
      %mul3A_534 = arith.mulf %select_n3A_494, %select_n3A_482 : vector<16xf32>
      %mul3A_535 = arith.mulf %mul3A_534, %mul3A_500 : vector<16xf32>
      %add3A_536 = arith.addf %add3A_445, %mul3A_535 : vector<16xf32>
      %mul3A_537 = arith.mulf %select_n3A_494, %select_n3A_486 : vector<16xf32>
      %mul3A_538 = arith.mulf %mul3A_537, %mul3A_500 : vector<16xf32>
      %add3A_539 = arith.addf %add3A_448, %mul3A_538 : vector<16xf32>
      %mul3A_540 = arith.mulf %select_n3A_498, %select_n3A_478 : vector<16xf32>
      %mul3A_541 = arith.mulf %mul3A_540, %mul3A_500 : vector<16xf32>
      %add3A_542 = arith.addf %add3A_451, %mul3A_541 : vector<16xf32>
      %mul3A_543 = arith.mulf %select_n3A_498, %select_n3A_482 : vector<16xf32>
      %mul3A_544 = arith.mulf %mul3A_543, %mul3A_500 : vector<16xf32>
      %add3A_545 = arith.addf %add3A_454, %mul3A_544 : vector<16xf32>
      %mul3A_546 = arith.mulf %select_n3A_498, %select_n3A_486 : vector<16xf32>
      %mul3A_547 = arith.mulf %mul3A_546, %mul3A_500 : vector<16xf32>
      %add3A_548 = arith.addf %add3A_457, %mul3A_547 : vector<16xf32>
      %get3A_549 = arith.constant 6 : i32
      %get3A_550 = arith.index_cast %get3A_549 : i32 to index
      %get3A_551 = arith.constant 0 : index
      %get3A_552 = tpu.vector_load %arg6[%get3A_550, %get3A_551] {strides = array<i32>} : memref<16x16xi32, #tpu.memory_space<vmem>>, vector<1x16xi32>,
      %get3A_553 = vector.shape_cast %get3A_552 : vector<1x16xi32> to vector<16xi32>
      %get3A_554 = arith.constant 6 : i32
      %get3A_555 = arith.index_cast %get3A_554 : i32 to index
      %get3A_556 = arith.constant 0 : index
      %get3A_557 = tpu.vector_load %arg7[%get3A_555, %get3A_556] {strides = array<i32>} : memref<16x16xi32, #tpu.memory_space<vmem>>, vector<1x16xi32>,
      %get3A_558 = vector.shape_cast %get3A_557 : vector<1x16xi32> to vector<16xi32>
      %get3A_559 = arith.constant 6 : i32
      %get3A_560 = arith.index_cast %get3A_559 : i32 to index
      %get3A_561 = arith.constant 0 : index
      %get3A_562 = tpu.vector_load %arg8[%get3A_560, %get3A_561] {strides = array<i32>} : memref<16x16xf32, #tpu.memory_space<vmem>>, vector<1x16xf32>,
      %get3A_563 = vector.shape_cast %get3A_562 : vector<1x16xf32> to vector<16xf32>
      %eq3A_564 = arith.cmpi eq, %get3A_553, %get3A_558 : vector<16xi32>
      %select_n3A_565 = arith.select %eq3A_564, %broadcast_in_dim3A_5, %broadcast_in_dim3A_3 : vector<16xi1>, vector<16xf32>
      %eq3A_566 = arith.constant 0 : i32
      %eq3A_567 = vector.broadcast %eq3A_566 : i32 to vector<16xi32>
      %eq3A_568 = arith.cmpi eq, %get3A_553, %eq3A_567 : vector<16xi32>
      %select_n3A_569 = arith.select %eq3A_568, %broadcast_in_dim3A_5, %broadcast_in_dim3A_3 : vector<16xi1>, vector<16xf32>
      %eq3A_570 = arith.constant 1 : i32
      %eq3A_571 = vector.broadcast %eq3A_570 : i32 to vector<16xi32>
      %eq3A_572 = arith.cmpi eq, %get3A_553, %eq3A_571 : vector<16xi32>
      %select_n3A_573 = arith.select %eq3A_572, %broadcast_in_dim3A_5, %broadcast_in_dim3A_3 : vector<16xi1>, vector<16xf32>
      %eq3A_574 = arith.constant 2 : i32
      %eq3A_575 = vector.broadcast %eq3A_574 : i32 to vector<16xi32>
      %eq3A_576 = arith.cmpi eq, %get3A_553, %eq3A_575 : vector<16xi32>
      %select_n3A_577 = arith.select %eq3A_576, %broadcast_in_dim3A_5, %broadcast_in_dim3A_3 : vector<16xi1>, vector<16xf32>
      %eq3A_578 = arith.constant 0 : i32
      %eq3A_579 = vector.broadcast %eq3A_578 : i32 to vector<16xi32>
      %eq3A_580 = arith.cmpi eq, %get3A_558, %eq3A_579 : vector<16xi32>
      %select_n3A_581 = arith.select %eq3A_580, %broadcast_in_dim3A_5, %broadcast_in_dim3A_3 : vector<16xi1>, vector<16xf32>
      %eq3A_582 = arith.constant 1 : i32
      %eq3A_583 = vector.broadcast %eq3A_582 : i32 to vector<16xi32>
      %eq3A_584 = arith.cmpi eq, %get3A_558, %eq3A_583 : vector<16xi32>
      %select_n3A_585 = arith.select %eq3A_584, %broadcast_in_dim3A_5, %broadcast_in_dim3A_3 : vector<16xi1>, vector<16xf32>
      %eq3A_586 = arith.constant 2 : i32
      %eq3A_587 = vector.broadcast %eq3A_586 : i32 to vector<16xi32>
      %eq3A_588 = arith.cmpi eq, %get3A_558, %eq3A_587 : vector<16xi32>
      %select_n3A_589 = arith.select %eq3A_588, %broadcast_in_dim3A_5, %broadcast_in_dim3A_3 : vector<16xi1>, vector<16xf32>
      %sub3A_590 = arith.subf %broadcast_in_dim3A_5, %select_n3A_565 : vector<16xf32>
      %mul3A_591 = arith.mulf %sub3A_590, %get3A_563 : vector<16xf32>
      %mul3A_592 = arith.mulf %select_n3A_581, %mul3A_591 : vector<16xf32>
      %add3A_593 = arith.addf %add3A_502, %mul3A_592 : vector<16xf32>
      %mul3A_594 = arith.mulf %select_n3A_565, %select_n3A_569 : vector<16xf32>
      %sub3A_595 = arith.subf %broadcast_in_dim3A_5, %mul3A_594 : vector<16xf32>
      %mul3A_596 = arith.mulf %add3A_507, %sub3A_595 : vector<16xf32>
      %mul3A_597 = arith.mulf %mul3A_594, %get3A_563 : vector<16xf32>
      %add3A_598 = arith.addf %mul3A_596, %mul3A_597 : vector<16xf32>
      %mul3A_599 = arith.mulf %select_n3A_585, %mul3A_591 : vector<16xf32>
      %add3A_600 = arith.addf %add3A_509, %mul3A_599 : vector<16xf32>
      %mul3A_601 = arith.mulf %select_n3A_565, %select_n3A_573 : vector<16xf32>
      %sub3A_602 = arith.subf %broadcast_in_dim3A_5, %mul3A_601 : vector<16xf32>
      %mul3A_603 = arith.mulf %add3A_514, %sub3A_602 : vector<16xf32>
      %mul3A_604 = arith.mulf %mul3A_601, %get3A_563 : vector<16xf32>
      %add3A_605 = arith.addf %mul3A_603, %mul3A_604 : vector<16xf32>
      %mul3A_606 = arith.mulf %select_n3A_589, %mul3A_591 : vector<16xf32>
      %add3A_607 = arith.addf %add3A_516, %mul3A_606 : vector<16xf32>
      %mul3A_608 = arith.mulf %select_n3A_565, %select_n3A_577 : vector<16xf32>
      %sub3A_609 = arith.subf %broadcast_in_dim3A_5, %mul3A_608 : vector<16xf32>
      %mul3A_610 = arith.mulf %add3A_521, %sub3A_609 : vector<16xf32>
      %mul3A_611 = arith.mulf %mul3A_608, %get3A_563 : vector<16xf32>
      %add3A_612 = arith.addf %mul3A_610, %mul3A_611 : vector<16xf32>
      %mul3A_613 = arith.mulf %select_n3A_581, %select_n3A_569 : vector<16xf32>
      %mul3A_614 = arith.mulf %mul3A_613, %mul3A_591 : vector<16xf32>
      %add3A_615 = arith.addf %add3A_524, %mul3A_614 : vector<16xf32>
      %mul3A_616 = arith.mulf %select_n3A_581, %select_n3A_573 : vector<16xf32>
      %mul3A_617 = arith.mulf %mul3A_616, %mul3A_591 : vector<16xf32>
      %add3A_618 = arith.addf %add3A_527, %mul3A_617 : vector<16xf32>
      %mul3A_619 = arith.mulf %select_n3A_581, %select_n3A_577 : vector<16xf32>
      %mul3A_620 = arith.mulf %mul3A_619, %mul3A_591 : vector<16xf32>
      %add3A_621 = arith.addf %add3A_530, %mul3A_620 : vector<16xf32>
      %mul3A_622 = arith.mulf %select_n3A_585, %select_n3A_569 : vector<16xf32>
      %mul3A_623 = arith.mulf %mul3A_622, %mul3A_591 : vector<16xf32>
      %add3A_624 = arith.addf %add3A_533, %mul3A_623 : vector<16xf32>
      %mul3A_625 = arith.mulf %select_n3A_585, %select_n3A_573 : vector<16xf32>
      %mul3A_626 = arith.mulf %mul3A_625, %mul3A_591 : vector<16xf32>
      %add3A_627 = arith.addf %add3A_536, %mul3A_626 : vector<16xf32>
      %mul3A_628 = arith.mulf %select_n3A_585, %select_n3A_577 : vector<16xf32>
      %mul3A_629 = arith.mulf %mul3A_628, %mul3A_591 : vector<16xf32>
      %add3A_630 = arith.addf %add3A_539, %mul3A_629 : vector<16xf32>
      %mul3A_631 = arith.mulf %select_n3A_589, %select_n3A_569 : vector<16xf32>
      %mul3A_632 = arith.mulf %mul3A_631, %mul3A_591 : vector<16xf32>
      %add3A_633 = arith.addf %add3A_542, %mul3A_632 : vector<16xf32>
      %mul3A_634 = arith.mulf %select_n3A_589, %select_n3A_573 : vector<16xf32>
      %mul3A_635 = arith.mulf %mul3A_634, %mul3A_591 : vector<16xf32>
      %add3A_636 = arith.addf %add3A_545, %mul3A_635 : vector<16xf32>
      %mul3A_637 = arith.mulf %select_n3A_589, %select_n3A_577 : vector<16xf32>
      %mul3A_638 = arith.mulf %mul3A_637, %mul3A_591 : vector<16xf32>
      %add3A_639 = arith.addf %add3A_548, %mul3A_638 : vector<16xf32>
      %get3A_640 = arith.constant 7 : i32
      %get3A_641 = arith.index_cast %get3A_640 : i32 to index
      %get3A_642 = arith.constant 0 : index
      %get3A_643 = tpu.vector_load %arg6[%get3A_641, %get3A_642] {strides = array<i32>} : memref<16x16xi32, #tpu.memory_space<vmem>>, vector<1x16xi32>,
      %get3A_644 = vector.shape_cast %get3A_643 : vector<1x16xi32> to vector<16xi32>
      %get3A_645 = arith.constant 7 : i32
      %get3A_646 = arith.index_cast %get3A_645 : i32 to index
      %get3A_647 = arith.constant 0 : index
      %get3A_648 = tpu.vector_load %arg7[%get3A_646, %get3A_647] {strides = array<i32>} : memref<16x16xi32, #tpu.memory_space<vmem>>, vector<1x16xi32>,
      %get3A_649 = vector.shape_cast %get3A_648 : vector<1x16xi32> to vector<16xi32>
      %get3A_650 = arith.constant 7 : i32
      %get3A_651 = arith.index_cast %get3A_650 : i32 to index
      %get3A_652 = arith.constant 0 : index
      %get3A_653 = tpu.vector_load %arg8[%get3A_651, %get3A_652] {strides = array<i32>} : memref<16x16xf32, #tpu.memory_space<vmem>>, vector<1x16xf32>,
      %get3A_654 = vector.shape_cast %get3A_653 : vector<1x16xf32> to vector<16xf32>
      %eq3A_655 = arith.cmpi eq, %get3A_644, %get3A_649 : vector<16xi32>
      %select_n3A_656 = arith.select %eq3A_655, %broadcast_in_dim3A_5, %broadcast_in_dim3A_3 : vector<16xi1>, vector<16xf32>
      %eq3A_657 = arith.constant 0 : i32
      %eq3A_658 = vector.broadcast %eq3A_657 : i32 to vector<16xi32>
      %eq3A_659 = arith.cmpi eq, %get3A_644, %eq3A_658 : vector<16xi32>
      %select_n3A_660 = arith.select %eq3A_659, %broadcast_in_dim3A_5, %broadcast_in_dim3A_3 : vector<16xi1>, vector<16xf32>
      %eq3A_661 = arith.constant 1 : i32
      %eq3A_662 = vector.broadcast %eq3A_661 : i32 to vector<16xi32>
      %eq3A_663 = arith.cmpi eq, %get3A_644, %eq3A_662 : vector<16xi32>
      %select_n3A_664 = arith.select %eq3A_663, %broadcast_in_dim3A_5, %broadcast_in_dim3A_3 : vector<16xi1>, vector<16xf32>
      %eq3A_665 = arith.constant 2 : i32
      %eq3A_666 = vector.broadcast %eq3A_665 : i32 to vector<16xi32>
      %eq3A_667 = arith.cmpi eq, %get3A_644, %eq3A_666 : vector<16xi32>
      %select_n3A_668 = arith.select %eq3A_667, %broadcast_in_dim3A_5, %broadcast_in_dim3A_3 : vector<16xi1>, vector<16xf32>
      %eq3A_669 = arith.constant 0 : i32
      %eq3A_670 = vector.broadcast %eq3A_669 : i32 to vector<16xi32>
      %eq3A_671 = arith.cmpi eq, %get3A_649, %eq3A_670 : vector<16xi32>
      %select_n3A_672 = arith.select %eq3A_671, %broadcast_in_dim3A_5, %broadcast_in_dim3A_3 : vector<16xi1>, vector<16xf32>
      %eq3A_673 = arith.constant 1 : i32
      %eq3A_674 = vector.broadcast %eq3A_673 : i32 to vector<16xi32>
      %eq3A_675 = arith.cmpi eq, %get3A_649, %eq3A_674 : vector<16xi32>
      %select_n3A_676 = arith.select %eq3A_675, %broadcast_in_dim3A_5, %broadcast_in_dim3A_3 : vector<16xi1>, vector<16xf32>
      %eq3A_677 = arith.constant 2 : i32
      %eq3A_678 = vector.broadcast %eq3A_677 : i32 to vector<16xi32>
      %eq3A_679 = arith.cmpi eq, %get3A_649, %eq3A_678 : vector<16xi32>
      %select_n3A_680 = arith.select %eq3A_679, %broadcast_in_dim3A_5, %broadcast_in_dim3A_3 : vector<16xi1>, vector<16xf32>
      %sub3A_681 = arith.subf %broadcast_in_dim3A_5, %select_n3A_656 : vector<16xf32>
      %mul3A_682 = arith.mulf %sub3A_681, %get3A_654 : vector<16xf32>
      %mul3A_683 = arith.mulf %select_n3A_672, %mul3A_682 : vector<16xf32>
      %add3A_684 = arith.addf %add3A_593, %mul3A_683 : vector<16xf32>
      %mul3A_685 = arith.mulf %select_n3A_656, %select_n3A_660 : vector<16xf32>
      %sub3A_686 = arith.subf %broadcast_in_dim3A_5, %mul3A_685 : vector<16xf32>
      %mul3A_687 = arith.mulf %add3A_598, %sub3A_686 : vector<16xf32>
      %mul3A_688 = arith.mulf %mul3A_685, %get3A_654 : vector<16xf32>
      %add3A_689 = arith.addf %mul3A_687, %mul3A_688 : vector<16xf32>
      %mul3A_690 = arith.mulf %select_n3A_676, %mul3A_682 : vector<16xf32>
      %add3A_691 = arith.addf %add3A_600, %mul3A_690 : vector<16xf32>
      %mul3A_692 = arith.mulf %select_n3A_656, %select_n3A_664 : vector<16xf32>
      %sub3A_693 = arith.subf %broadcast_in_dim3A_5, %mul3A_692 : vector<16xf32>
      %mul3A_694 = arith.mulf %add3A_605, %sub3A_693 : vector<16xf32>
      %mul3A_695 = arith.mulf %mul3A_692, %get3A_654 : vector<16xf32>
      %add3A_696 = arith.addf %mul3A_694, %mul3A_695 : vector<16xf32>
      %mul3A_697 = arith.mulf %select_n3A_680, %mul3A_682 : vector<16xf32>
      %add3A_698 = arith.addf %add3A_607, %mul3A_697 : vector<16xf32>
      %mul3A_699 = arith.mulf %select_n3A_656, %select_n3A_668 : vector<16xf32>
      %sub3A_700 = arith.subf %broadcast_in_dim3A_5, %mul3A_699 : vector<16xf32>
      %mul3A_701 = arith.mulf %add3A_612, %sub3A_700 : vector<16xf32>
      %mul3A_702 = arith.mulf %mul3A_699, %get3A_654 : vector<16xf32>
      %add3A_703 = arith.addf %mul3A_701, %mul3A_702 : vector<16xf32>
      %mul3A_704 = arith.mulf %select_n3A_672, %select_n3A_660 : vector<16xf32>
      %mul3A_705 = arith.mulf %mul3A_704, %mul3A_682 : vector<16xf32>
      %add3A_706 = arith.addf %add3A_615, %mul3A_705 : vector<16xf32>
      %mul3A_707 = arith.mulf %select_n3A_672, %select_n3A_664 : vector<16xf32>
      %mul3A_708 = arith.mulf %mul3A_707, %mul3A_682 : vector<16xf32>
      %add3A_709 = arith.addf %add3A_618, %mul3A_708 : vector<16xf32>
      %mul3A_710 = arith.mulf %select_n3A_672, %select_n3A_668 : vector<16xf32>
      %mul3A_711 = arith.mulf %mul3A_710, %mul3A_682 : vector<16xf32>
      %add3A_712 = arith.addf %add3A_621, %mul3A_711 : vector<16xf32>
      %mul3A_713 = arith.mulf %select_n3A_676, %select_n3A_660 : vector<16xf32>
      %mul3A_714 = arith.mulf %mul3A_713, %mul3A_682 : vector<16xf32>
      %add3A_715 = arith.addf %add3A_624, %mul3A_714 : vector<16xf32>
      %mul3A_716 = arith.mulf %select_n3A_676, %select_n3A_664 : vector<16xf32>
      %mul3A_717 = arith.mulf %mul3A_716, %mul3A_682 : vector<16xf32>
      %add3A_718 = arith.addf %add3A_627, %mul3A_717 : vector<16xf32>
      %mul3A_719 = arith.mulf %select_n3A_676, %select_n3A_668 : vector<16xf32>
      %mul3A_720 = arith.mulf %mul3A_719, %mul3A_682 : vector<16xf32>
      %add3A_721 = arith.addf %add3A_630, %mul3A_720 : vector<16xf32>
      %mul3A_722 = arith.mulf %select_n3A_680, %select_n3A_660 : vector<16xf32>
      %mul3A_723 = arith.mulf %mul3A_722, %mul3A_682 : vector<16xf32>
      %add3A_724 = arith.addf %add3A_633, %mul3A_723 : vector<16xf32>
      %mul3A_725 = arith.mulf %select_n3A_680, %select_n3A_664 : vector<16xf32>
      %mul3A_726 = arith.mulf %mul3A_725, %mul3A_682 : vector<16xf32>
      %add3A_727 = arith.addf %add3A_636, %mul3A_726 : vector<16xf32>
      %mul3A_728 = arith.mulf %select_n3A_680, %select_n3A_668 : vector<16xf32>
      %mul3A_729 = arith.mulf %mul3A_728, %mul3A_682 : vector<16xf32>
      %add3A_730 = arith.addf %add3A_639, %mul3A_729 : vector<16xf32>
      %get3A_731 = arith.constant 8 : i32
      %get3A_732 = arith.index_cast %get3A_731 : i32 to index
      %get3A_733 = arith.constant 0 : index
      %get3A_734 = tpu.vector_load %arg6[%get3A_732, %get3A_733] {strides = array<i32>} : memref<16x16xi32, #tpu.memory_space<vmem>>, vector<1x16xi32>,
      %get3A_735 = vector.shape_cast %get3A_734 : vector<1x16xi32> to vector<16xi32>
      %get3A_736 = arith.constant 8 : i32
      %get3A_737 = arith.index_cast %get3A_736 : i32 to index
      %get3A_738 = arith.constant 0 : index
      %get3A_739 = tpu.vector_load %arg7[%get3A_737, %get3A_738] {strides = array<i32>} : memref<16x16xi32, #tpu.memory_space<vmem>>, vector<1x16xi32>,
      %get3A_740 = vector.shape_cast %get3A_739 : vector<1x16xi32> to vector<16xi32>
      %get3A_741 = arith.constant 8 : i32
      %get3A_742 = arith.index_cast %get3A_741 : i32 to index
      %get3A_743 = arith.constant 0 : index
      %get3A_744 = tpu.vector_load %arg8[%get3A_742, %get3A_743] {strides = array<i32>} : memref<16x16xf32, #tpu.memory_space<vmem>>, vector<1x16xf32>,
      %get3A_745 = vector.shape_cast %get3A_744 : vector<1x16xf32> to vector<16xf32>
      %eq3A_746 = arith.cmpi eq, %get3A_735, %get3A_740 : vector<16xi32>
      %select_n3A_747 = arith.select %eq3A_746, %broadcast_in_dim3A_5, %broadcast_in_dim3A_3 : vector<16xi1>, vector<16xf32>
      %eq3A_748 = arith.constant 0 : i32
      %eq3A_749 = vector.broadcast %eq3A_748 : i32 to vector<16xi32>
      %eq3A_750 = arith.cmpi eq, %get3A_735, %eq3A_749 : vector<16xi32>
      %select_n3A_751 = arith.select %eq3A_750, %broadcast_in_dim3A_5, %broadcast_in_dim3A_3 : vector<16xi1>, vector<16xf32>
      %eq3A_752 = arith.constant 1 : i32
      %eq3A_753 = vector.broadcast %eq3A_752 : i32 to vector<16xi32>
      %eq3A_754 = arith.cmpi eq, %get3A_735, %eq3A_753 : vector<16xi32>
      %select_n3A_755 = arith.select %eq3A_754, %broadcast_in_dim3A_5, %broadcast_in_dim3A_3 : vector<16xi1>, vector<16xf32>
      %eq3A_756 = arith.constant 2 : i32
      %eq3A_757 = vector.broadcast %eq3A_756 : i32 to vector<16xi32>
      %eq3A_758 = arith.cmpi eq, %get3A_735, %eq3A_757 : vector<16xi32>
      %select_n3A_759 = arith.select %eq3A_758, %broadcast_in_dim3A_5, %broadcast_in_dim3A_3 : vector<16xi1>, vector<16xf32>
      %eq3A_760 = arith.constant 0 : i32
      %eq3A_761 = vector.broadcast %eq3A_760 : i32 to vector<16xi32>
      %eq3A_762 = arith.cmpi eq, %get3A_740, %eq3A_761 : vector<16xi32>
      %select_n3A_763 = arith.select %eq3A_762, %broadcast_in_dim3A_5, %broadcast_in_dim3A_3 : vector<16xi1>, vector<16xf32>
      %eq3A_764 = arith.constant 1 : i32
      %eq3A_765 = vector.broadcast %eq3A_764 : i32 to vector<16xi32>
      %eq3A_766 = arith.cmpi eq, %get3A_740, %eq3A_765 : vector<16xi32>
      %select_n3A_767 = arith.select %eq3A_766, %broadcast_in_dim3A_5, %broadcast_in_dim3A_3 : vector<16xi1>, vector<16xf32>
      %eq3A_768 = arith.constant 2 : i32
      %eq3A_769 = vector.broadcast %eq3A_768 : i32 to vector<16xi32>
      %eq3A_770 = arith.cmpi eq, %get3A_740, %eq3A_769 : vector<16xi32>
      %select_n3A_771 = arith.select %eq3A_770, %broadcast_in_dim3A_5, %broadcast_in_dim3A_3 : vector<16xi1>, vector<16xf32>
      %sub3A_772 = arith.subf %broadcast_in_dim3A_5, %select_n3A_747 : vector<16xf32>
      %mul3A_773 = arith.mulf %sub3A_772, %get3A_745 : vector<16xf32>
      %mul3A_774 = arith.mulf %select_n3A_763, %mul3A_773 : vector<16xf32>
      %add3A_775 = arith.addf %add3A_684, %mul3A_774 : vector<16xf32>
      %mul3A_776 = arith.mulf %select_n3A_747, %select_n3A_751 : vector<16xf32>
      %sub3A_777 = arith.subf %broadcast_in_dim3A_5, %mul3A_776 : vector<16xf32>
      %mul3A_778 = arith.mulf %add3A_689, %sub3A_777 : vector<16xf32>
      %mul3A_779 = arith.mulf %mul3A_776, %get3A_745 : vector<16xf32>
      %add3A_780 = arith.addf %mul3A_778, %mul3A_779 : vector<16xf32>
      %mul3A_781 = arith.mulf %select_n3A_767, %mul3A_773 : vector<16xf32>
      %add3A_782 = arith.addf %add3A_691, %mul3A_781 : vector<16xf32>
      %mul3A_783 = arith.mulf %select_n3A_747, %select_n3A_755 : vector<16xf32>
      %sub3A_784 = arith.subf %broadcast_in_dim3A_5, %mul3A_783 : vector<16xf32>
      %mul3A_785 = arith.mulf %add3A_696, %sub3A_784 : vector<16xf32>
      %mul3A_786 = arith.mulf %mul3A_783, %get3A_745 : vector<16xf32>
      %add3A_787 = arith.addf %mul3A_785, %mul3A_786 : vector<16xf32>
      %mul3A_788 = arith.mulf %select_n3A_771, %mul3A_773 : vector<16xf32>
      %add3A_789 = arith.addf %add3A_698, %mul3A_788 : vector<16xf32>
      %mul3A_790 = arith.mulf %select_n3A_747, %select_n3A_759 : vector<16xf32>
      %sub3A_791 = arith.subf %broadcast_in_dim3A_5, %mul3A_790 : vector<16xf32>
      %mul3A_792 = arith.mulf %add3A_703, %sub3A_791 : vector<16xf32>
      %mul3A_793 = arith.mulf %mul3A_790, %get3A_745 : vector<16xf32>
      %add3A_794 = arith.addf %mul3A_792, %mul3A_793 : vector<16xf32>
      %mul3A_795 = arith.mulf %select_n3A_763, %select_n3A_751 : vector<16xf32>
      %mul3A_796 = arith.mulf %mul3A_795, %mul3A_773 : vector<16xf32>
      %add3A_797 = arith.addf %add3A_706, %mul3A_796 : vector<16xf32>
      %mul3A_798 = arith.mulf %select_n3A_763, %select_n3A_755 : vector<16xf32>
      %mul3A_799 = arith.mulf %mul3A_798, %mul3A_773 : vector<16xf32>
      %add3A_800 = arith.addf %add3A_709, %mul3A_799 : vector<16xf32>
      %mul3A_801 = arith.mulf %select_n3A_763, %select_n3A_759 : vector<16xf32>
      %mul3A_802 = arith.mulf %mul3A_801, %mul3A_773 : vector<16xf32>
      %add3A_803 = arith.addf %add3A_712, %mul3A_802 : vector<16xf32>
      %mul3A_804 = arith.mulf %select_n3A_767, %select_n3A_751 : vector<16xf32>
      %mul3A_805 = arith.mulf %mul3A_804, %mul3A_773 : vector<16xf32>
      %add3A_806 = arith.addf %add3A_715, %mul3A_805 : vector<16xf32>
      %mul3A_807 = arith.mulf %select_n3A_767, %select_n3A_755 : vector<16xf32>
      %mul3A_808 = arith.mulf %mul3A_807, %mul3A_773 : vector<16xf32>
      %add3A_809 = arith.addf %add3A_718, %mul3A_808 : vector<16xf32>
      %mul3A_810 = arith.mulf %select_n3A_767, %select_n3A_759 : vector<16xf32>
      %mul3A_811 = arith.mulf %mul3A_810, %mul3A_773 : vector<16xf32>
      %add3A_812 = arith.addf %add3A_721, %mul3A_811 : vector<16xf32>
      %mul3A_813 = arith.mulf %select_n3A_771, %select_n3A_751 : vector<16xf32>
      %mul3A_814 = arith.mulf %mul3A_813, %mul3A_773 : vector<16xf32>
      %add3A_815 = arith.addf %add3A_724, %mul3A_814 : vector<16xf32>
      %mul3A_816 = arith.mulf %select_n3A_771, %select_n3A_755 : vector<16xf32>
      %mul3A_817 = arith.mulf %mul3A_816, %mul3A_773 : vector<16xf32>
      %add3A_818 = arith.addf %add3A_727, %mul3A_817 : vector<16xf32>
      %mul3A_819 = arith.mulf %select_n3A_771, %select_n3A_759 : vector<16xf32>
      %mul3A_820 = arith.mulf %mul3A_819, %mul3A_773 : vector<16xf32>
      %add3A_821 = arith.addf %add3A_730, %mul3A_820 : vector<16xf32>
      %swap3A = arith.constant 0 : i32
      %swap3A_822 = arith.index_cast %swap3A : i32 to index
      %swap3A_823 = arith.constant 0 : index
      %swap3A_824 = tpu.vector_load %arg9[%swap3A_822, %swap3A_823] {strides = array<i32>} : memref<16x16xf32, #tpu.memory_space<vmem>>, vector<1x16xf32>,
      %swap3A_825 = vector.shape_cast %swap3A_824 : vector<1x16xf32> to vector<16xf32>
      %swap3A_826 = vector.shape_cast %add3A_797 : vector<16xf32> to vector<1x16xf32>
      tpu.vector_store %arg9[%swap3A_822, %swap3A_823], %swap3A_826 {strides = array<i32>} : memref<16x16xf32, #tpu.memory_space<vmem>>, vector<1x16xf32>,
      %swap3A_827 = arith.constant 1 : i32
      %swap3A_828 = arith.index_cast %swap3A_827 : i32 to index
      %swap3A_829 = arith.constant 0 : index
      %swap3A_830 = tpu.vector_load %arg9[%swap3A_828, %swap3A_829] {strides = array<i32>} : memref<16x16xf32, #tpu.memory_space<vmem>>, vector<1x16xf32>,
      %swap3A_831 = vector.shape_cast %swap3A_830 : vector<1x16xf32> to vector<16xf32>
      %swap3A_832 = vector.shape_cast %add3A_800 : vector<16xf32> to vector<1x16xf32>
      tpu.vector_store %arg9[%swap3A_828, %swap3A_829], %swap3A_832 {strides = array<i32>} : memref<16x16xf32, #tpu.memory_space<vmem>>, vector<1x16xf32>,
      %swap3A_833 = arith.constant 2 : i32
      %swap3A_834 = arith.index_cast %swap3A_833 : i32 to index
      %swap3A_835 = arith.constant 0 : index
      %swap3A_836 = tpu.vector_load %arg9[%swap3A_834, %swap3A_835] {strides = array<i32>} : memref<16x16xf32, #tpu.memory_space<vmem>>, vector<1x16xf32>,
      %swap3A_837 = vector.shape_cast %swap3A_836 : vector<1x16xf32> to vector<16xf32>
      %swap3A_838 = vector.shape_cast %add3A_803 : vector<16xf32> to vector<1x16xf32>
      tpu.vector_store %arg9[%swap3A_834, %swap3A_835], %swap3A_838 {strides = array<i32>} : memref<16x16xf32, #tpu.memory_space<vmem>>, vector<1x16xf32>,
      %swap3A_839 = arith.constant 3 : i32
      %swap3A_840 = arith.index_cast %swap3A_839 : i32 to index
      %swap3A_841 = arith.constant 0 : index
      %swap3A_842 = tpu.vector_load %arg9[%swap3A_840, %swap3A_841] {strides = array<i32>} : memref<16x16xf32, #tpu.memory_space<vmem>>, vector<1x16xf32>,
      %swap3A_843 = vector.shape_cast %swap3A_842 : vector<1x16xf32> to vector<16xf32>
      %swap3A_844 = vector.shape_cast %add3A_806 : vector<16xf32> to vector<1x16xf32>
      tpu.vector_store %arg9[%swap3A_840, %swap3A_841], %swap3A_844 {strides = array<i32>} : memref<16x16xf32, #tpu.memory_space<vmem>>, vector<1x16xf32>,
      %swap3A_845 = arith.constant 4 : i32
      %swap3A_846 = arith.index_cast %swap3A_845 : i32 to index
      %swap3A_847 = arith.constant 0 : index
      %swap3A_848 = tpu.vector_load %arg9[%swap3A_846, %swap3A_847] {strides = array<i32>} : memref<16x16xf32, #tpu.memory_space<vmem>>, vector<1x16xf32>,
      %swap3A_849 = vector.shape_cast %swap3A_848 : vector<1x16xf32> to vector<16xf32>
      %swap3A_850 = vector.shape_cast %add3A_809 : vector<16xf32> to vector<1x16xf32>
      tpu.vector_store %arg9[%swap3A_846, %swap3A_847], %swap3A_850 {strides = array<i32>} : memref<16x16xf32, #tpu.memory_space<vmem>>, vector<1x16xf32>,
      %swap3A_851 = arith.constant 5 : i32
      %swap3A_852 = arith.index_cast %swap3A_851 : i32 to index
      %swap3A_853 = arith.constant 0 : index
      %swap3A_854 = tpu.vector_load %arg9[%swap3A_852, %swap3A_853] {strides = array<i32>} : memref<16x16xf32, #tpu.memory_space<vmem>>, vector<1x16xf32>,
      %swap3A_855 = vector.shape_cast %swap3A_854 : vector<1x16xf32> to vector<16xf32>
      %swap3A_856 = vector.shape_cast %add3A_812 : vector<16xf32> to vector<1x16xf32>
      tpu.vector_store %arg9[%swap3A_852, %swap3A_853], %swap3A_856 {strides = array<i32>} : memref<16x16xf32, #tpu.memory_space<vmem>>, vector<1x16xf32>,
      %swap3A_857 = arith.constant 6 : i32
      %swap3A_858 = arith.index_cast %swap3A_857 : i32 to index
      %swap3A_859 = arith.constant 0 : index
      %swap3A_860 = tpu.vector_load %arg9[%swap3A_858, %swap3A_859] {strides = array<i32>} : memref<16x16xf32, #tpu.memory_space<vmem>>, vector<1x16xf32>,
      %swap3A_861 = vector.shape_cast %swap3A_860 : vector<1x16xf32> to vector<16xf32>
      %swap3A_862 = vector.shape_cast %add3A_815 : vector<16xf32> to vector<1x16xf32>
      tpu.vector_store %arg9[%swap3A_858, %swap3A_859], %swap3A_862 {strides = array<i32>} : memref<16x16xf32, #tpu.memory_space<vmem>>, vector<1x16xf32>,
      %swap3A_863 = arith.constant 7 : i32
      %swap3A_864 = arith.index_cast %swap3A_863 : i32 to index
      %swap3A_865 = arith.constant 0 : index
      %swap3A_866 = tpu.vector_load %arg9[%swap3A_864, %swap3A_865] {strides = array<i32>} : memref<16x16xf32, #tpu.memory_space<vmem>>, vector<1x16xf32>,
      %swap3A_867 = vector.shape_cast %swap3A_866 : vector<1x16xf32> to vector<16xf32>
      %swap3A_868 = vector.shape_cast %add3A_818 : vector<16xf32> to vector<1x16xf32>
      tpu.vector_store %arg9[%swap3A_864, %swap3A_865], %swap3A_868 {strides = array<i32>} : memref<16x16xf32, #tpu.memory_space<vmem>>, vector<1x16xf32>,
      %swap3A_869 = arith.constant 8 : i32
      %swap3A_870 = arith.index_cast %swap3A_869 : i32 to index
      %swap3A_871 = arith.constant 0 : index
      %swap3A_872 = tpu.vector_load %arg9[%swap3A_870, %swap3A_871] {strides = array<i32>} : memref<16x16xf32, #tpu.memory_space<vmem>>, vector<1x16xf32>,
      %swap3A_873 = vector.shape_cast %swap3A_872 : vector<1x16xf32> to vector<16xf32>
      %swap3A_874 = vector.shape_cast %add3A_821 : vector<16xf32> to vector<1x16xf32>
      tpu.vector_store %arg9[%swap3A_870, %swap3A_871], %swap3A_874 {strides = array<i32>} : memref<16x16xf32, #tpu.memory_space<vmem>>, vector<1x16xf32>,
      %add3A_875 = arith.addf %add3A_775, %add3A_780 : vector<16xf32>
      %swap3A_876 = arith.constant 9 : i32
      %swap3A_877 = arith.index_cast %swap3A_876 : i32 to index
      %swap3A_878 = arith.constant 0 : index
      %swap3A_879 = tpu.vector_load %arg9[%swap3A_877, %swap3A_878] {strides = array<i32>} : memref<16x16xf32, #tpu.memory_space<vmem>>, vector<1x16xf32>,
      %swap3A_880 = vector.shape_cast %swap3A_879 : vector<1x16xf32> to vector<16xf32>
      %swap3A_881 = vector.shape_cast %add3A_875 : vector<16xf32> to vector<1x16xf32>
      tpu.vector_store %arg9[%swap3A_877, %swap3A_878], %swap3A_881 {strides = array<i32>} : memref<16x16xf32, #tpu.memory_space<vmem>>, vector<1x16xf32>,
      %swap3A_882 = arith.constant 12 : i32
      %swap3A_883 = arith.index_cast %swap3A_882 : i32 to index
      %swap3A_884 = arith.constant 0 : index
      %swap3A_885 = tpu.vector_load %arg9[%swap3A_883, %swap3A_884] {strides = array<i32>} : memref<16x16xf32, #tpu.memory_space<vmem>>, vector<1x16xf32>,
      %swap3A_886 = vector.shape_cast %swap3A_885 : vector<1x16xf32> to vector<16xf32>
      %swap3A_887 = vector.shape_cast %add3A_780 : vector<16xf32> to vector<1x16xf32>
      tpu.vector_store %arg9[%swap3A_883, %swap3A_884], %swap3A_887 {strides = array<i32>} : memref<16x16xf32, #tpu.memory_space<vmem>>, vector<1x16xf32>,
      %add3A_888 = arith.addf %add3A_782, %add3A_787 : vector<16xf32>
      %swap3A_889 = arith.constant 10 : i32
      %swap3A_890 = arith.index_cast %swap3A_889 : i32 to index
      %swap3A_891 = arith.constant 0 : index
      %swap3A_892 = tpu.vector_load %arg9[%swap3A_890, %swap3A_891] {strides = array<i32>} : memref<16x16xf32, #tpu.memory_space<vmem>>, vector<1x16xf32>,
      %swap3A_893 = vector.shape_cast %swap3A_892 : vector<1x16xf32> to vector<16xf32>
      %swap3A_894 = vector.shape_cast %add3A_888 : vector<16xf32> to vector<1x16xf32>
      tpu.vector_store %arg9[%swap3A_890, %swap3A_891], %swap3A_894 {strides = array<i32>} : memref<16x16xf32, #tpu.memory_space<vmem>>, vector<1x16xf32>,
      %swap3A_895 = arith.constant 13 : i32
      %swap3A_896 = arith.index_cast %swap3A_895 : i32 to index
      %swap3A_897 = arith.constant 0 : index
      %swap3A_898 = tpu.vector_load %arg9[%swap3A_896, %swap3A_897] {strides = array<i32>} : memref<16x16xf32, #tpu.memory_space<vmem>>, vector<1x16xf32>,
      %swap3A_899 = vector.shape_cast %swap3A_898 : vector<1x16xf32> to vector<16xf32>
      %swap3A_900 = vector.shape_cast %add3A_787 : vector<16xf32> to vector<1x16xf32>
      tpu.vector_store %arg9[%swap3A_896, %swap3A_897], %swap3A_900 {strides = array<i32>} : memref<16x16xf32, #tpu.memory_space<vmem>>, vector<1x16xf32>,
      %add3A_901 = arith.addf %add3A_789, %add3A_794 : vector<16xf32>
      %swap3A_902 = arith.constant 11 : i32
      %swap3A_903 = arith.index_cast %swap3A_902 : i32 to index
      %swap3A_904 = arith.constant 0 : index
      %swap3A_905 = tpu.vector_load %arg9[%swap3A_903, %swap3A_904] {strides = array<i32>} : memref<16x16xf32, #tpu.memory_space<vmem>>, vector<1x16xf32>,
      %swap3A_906 = vector.shape_cast %swap3A_905 : vector<1x16xf32> to vector<16xf32>
      %swap3A_907 = vector.shape_cast %add3A_901 : vector<16xf32> to vector<1x16xf32>
      tpu.vector_store %arg9[%swap3A_903, %swap3A_904], %swap3A_907 {strides = array<i32>} : memref<16x16xf32, #tpu.memory_space<vmem>>, vector<1x16xf32>,
      %swap3A_908 = arith.constant 14 : i32
      %swap3A_909 = arith.index_cast %swap3A_908 : i32 to index
      %swap3A_910 = arith.constant 0 : index
      %swap3A_911 = tpu.vector_load %arg9[%swap3A_909, %swap3A_910] {strides = array<i32>} : memref<16x16xf32, #tpu.memory_space<vmem>>, vector<1x16xf32>,
      %swap3A_912 = vector.shape_cast %swap3A_911 : vector<1x16xf32> to vector<16xf32>
      %swap3A_913 = vector.shape_cast %add3A_794 : vector<16xf32> to vector<1x16xf32>
      tpu.vector_store %arg9[%swap3A_909, %swap3A_910], %swap3A_913 {strides = array<i32>} : memref<16x16xf32, #tpu.memory_space<vmem>>, vector<1x16xf32>,
      %swap3A_914 = arith.constant 15 : i32
      %swap3A_915 = arith.index_cast %swap3A_914 : i32 to index
      %swap3A_916 = arith.constant 0 : index
      %swap3A_917 = tpu.vector_load %arg9[%swap3A_915, %swap3A_916] {strides = array<i32>} : memref<16x16xf32, #tpu.memory_space<vmem>>, vector<1x16xf32>,
      %swap3A_918 = vector.shape_cast %swap3A_917 : vector<1x16xf32> to vector<16xf32>
      %swap3A_919 = vector.shape_cast %broadcast_in_dim3A_3 : vector<16xf32> to vector<1x16xf32>
      tpu.vector_store %arg9[%swap3A_915, %swap3A_916], %swap3A_919 {strides = array<i32>} : memref<16x16xf32, #tpu.memory_space<vmem>>, vector<1x16xf32>,
      "tpu.region"() ({
        %run_scoped3A = tpu.sem_alloc : memref<!tpu.dma_semaphore, #tpu.memory_space<semaphore_mem>>
        tpu.enqueue_dma source(%arg9 : memref<16x16xf32, #tpu.memory_space<vmem>>) target(%arg5 : memref<16x16xf32, #tpu.memory_space<hbm>>) target_semaphore(%run_scoped3A : memref<!tpu.dma_semaphore, #tpu.memory_space<semaphore_mem>>)
        tpu.wait_dma2 semaphore(%run_scoped3A : memref<!tpu.dma_semaphore, #tpu.memory_space<semaphore_mem>>) src(%arg9 : memref<16x16xf32, #tpu.memory_space<vmem>>) dst(%arg5 : memref<16x16xf32, #tpu.memory_space<hbm>>)
        tpu.yield
      }) : () -> ()
    } else {
    }
    return
  }
}

module attributes {stable_mosaic.version = 14 : i64} {
  func.func @_h_tc_kernel(%arg0: memref<45x512xf32, #tpu.memory_space<vmem>>, %arg1: memref<32x512xf32, #tpu.memory_space<vmem>>, %arg2: memref<45x32xf32, #tpu.memory_space<vmem>>) attributes {dimension_semantics = [], scalar_prefetch = 0 : i64, scratch_operands = 0 : i64, tpu.core_type = #tpu.core_type<tc>} {
    %get3A = arith.constant 0 : index
    %get3A_0 = arith.constant 0 : index
    %get3A_1 = vector.load %arg0[%get3A, %get3A_0] : memref<45x512xf32, #tpu.memory_space<vmem>>, vector<45x512xf32>
    %get3A_2 = arith.constant 0 : index
    %get3A_3 = arith.constant 0 : index
    %get3A_4 = vector.load %arg1[%get3A_2, %get3A_3] : memref<32x512xf32, #tpu.memory_space<vmem>>, vector<32x512xf32>
    %dot_general3A = arith.constant dense<0.000000e+00> : vector<45x32xf32>
    %dot_general3A_5 = tpu.matmul %get3A_1, %get3A_4, %dot_general3A {dimension_numbers = #tpu.dot_dimension_numbers<[1], [1], [0], [0], [0, 0, 1, 0], [], []>, precision = #tpu.contract_precision<fp32>, transpose_lhs_hint = false} : vector<45x512xf32>, vector<32x512xf32>, vector<45x32xf32> -> vector<45x32xf32>
    %iota3A = tpu.iota {dimensions = array<i32: 0>} : vector<45x45xi32>
    %iota3A_6 = tpu.iota {dimensions = array<i32: 1>} : vector<45x45xi32>
    %jit3A = arith.constant 15 : i32
    %eq3A = arith.constant 0 : i32
    %eq3A_7 = arith.cmpi eq, %jit3A, %eq3A : i32
    %jit3A_8 = arith.constant 1 : i32
    %select_n3A = arith.select %eq3A_7, %jit3A_8, %jit3A : i32
    %rem3A = vector.broadcast %select_n3A : i32 to vector<45x45xi32>
    %rem3A_9 = arith.remsi %iota3A, %rem3A : vector<45x45xi32>
    %ne3A = arith.constant 0 : i32
    %ne3A_10 = vector.broadcast %ne3A : i32 to vector<45x45xi32>
    %ne3A_11 = arith.cmpi ne, %rem3A_9, %ne3A_10 : vector<45x45xi32>
    %lt3A = arith.constant 0 : i32
    %lt3A_12 = vector.broadcast %lt3A : i32 to vector<45x45xi32>
    %lt3A_13 = arith.cmpi slt, %rem3A_9, %lt3A_12 : vector<45x45xi32>
    %lt3A_14 = arith.constant 0 : i32
    %lt3A_15 = arith.cmpi slt, %select_n3A, %lt3A_14 : i32
    %ne3A_16 = vector.broadcast %lt3A_15 : i1 to vector<45x45xi1>
    %ne3A_17 = vector.broadcast %ne3A_16 : vector<45x45xi1> to vector<45x45xi1>
    %ne3A_18 = arith.xori %lt3A_13, %ne3A_17 : vector<45x45xi1>
    %and3A = arith.andi %ne3A_18, %ne3A_11 : vector<45x45xi1>
    %add3A = vector.broadcast %select_n3A : i32 to vector<45x45xi32>
    %add3A_19 = arith.addi %rem3A_9, %add3A : vector<45x45xi32>
    %select_n3A_20 = arith.select %and3A, %add3A_19, %rem3A_9 : vector<45x45xi1>, vector<45x45xi32>
    %mul3A = arith.constant 3 : i32
    %mul3A_21 = vector.broadcast %mul3A : i32 to vector<45x45xi32>
    %mul3A_22 = arith.muli %mul3A_21, %select_n3A_20 : vector<45x45xi32>
    %jit3A_23 = arith.constant 15 : i32
    %div3A = vector.broadcast %jit3A_23 : i32 to vector<45x45xi32>
    %div3A_24 = arith.divsi %iota3A, %div3A : vector<45x45xi32>
    %sign3A = arith.constant 0 : i32
    %sign3A_25 = vector.broadcast %sign3A : i32 to vector<45x45xi32>
    %sign3A_26 = arith.cmpi sgt, %iota3A, %sign3A_25 : vector<45x45xi32>
    %sign3A_27 = arith.extui %sign3A_26 : vector<45x45xi1> to vector<45x45xi32>
    %sign3A_28 = arith.constant 0 : i32
    %sign3A_29 = vector.broadcast %sign3A_28 : i32 to vector<45x45xi32>
    %sign3A_30 = arith.cmpi slt, %iota3A, %sign3A_29 : vector<45x45xi32>
    %sign3A_31 = arith.extui %sign3A_30 : vector<45x45xi1> to vector<45x45xi32>
    %sign3A_32 = arith.subi %sign3A_27, %sign3A_31 : vector<45x45xi32>
    %sign3A_33 = arith.constant 0 : i32
    %sign3A_34 = arith.cmpi sgt, %jit3A_23, %sign3A_33 : i32
    %sign3A_35 = arith.extui %sign3A_34 : i1 to i32
    %sign3A_36 = arith.constant 0 : i32
    %sign3A_37 = arith.cmpi slt, %jit3A_23, %sign3A_36 : i32
    %sign3A_38 = arith.extui %sign3A_37 : i1 to i32
    %sign3A_39 = arith.subi %sign3A_35, %sign3A_38 : i32
    %ne3A_40 = vector.broadcast %sign3A_39 : i32 to vector<45x45xi32>
    %ne3A_41 = arith.cmpi ne, %sign3A_32, %ne3A_40 : vector<45x45xi32>
    %rem3A_42 = vector.broadcast %jit3A_23 : i32 to vector<45x45xi32>
    %rem3A_43 = arith.remsi %iota3A, %rem3A_42 : vector<45x45xi32>
    %ne3A_44 = arith.constant 0 : i32
    %ne3A_45 = vector.broadcast %ne3A_44 : i32 to vector<45x45xi32>
    %ne3A_46 = arith.cmpi ne, %rem3A_43, %ne3A_45 : vector<45x45xi32>
    %and3A_47 = arith.andi %ne3A_41, %ne3A_46 : vector<45x45xi1>
    %sub3A = arith.constant 1 : i32
    %sub3A_48 = vector.broadcast %sub3A : i32 to vector<45x45xi32>
    %sub3A_49 = arith.subi %div3A_24, %sub3A_48 : vector<45x45xi32>
    %select_n3A_50 = arith.select %and3A_47, %sub3A_49, %div3A_24 : vector<45x45xi1>, vector<45x45xi32>
    %add3A_51 = arith.addi %mul3A_22, %select_n3A_50 : vector<45x45xi32>
    %eq3A_52 = arith.cmpi eq, %iota3A_6, %add3A_51 : vector<45x45xi32>
    %convert_element_type3A = arith.extui %eq3A_52 : vector<45x45xi1> to vector<45x45xi32>
    %convert_element_type3A_53 = arith.sitofp %convert_element_type3A : vector<45x45xi32> to vector<45x45xf32>
    %dot_general3A_54 = arith.constant dense<0.000000e+00> : vector<45x32xf32>
    %dot_general3A_55 = tpu.matmul %convert_element_type3A_53, %dot_general3A_5, %dot_general3A_54 {dimension_numbers = #tpu.dot_dimension_numbers<[1], [0], [0], [1], [0, 0, 1, 1], [], []>, transpose_lhs_hint = false} : vector<45x45xf32>, vector<45x32xf32>, vector<45x32xf32> -> vector<45x32xf32>
    %swap3A = arith.constant 0 : index
    %swap3A_56 = arith.constant 0 : index
    %swap3A_57 = vector.load %arg2[%swap3A, %swap3A_56] : memref<45x32xf32, #tpu.memory_space<vmem>>, vector<45x32xf32>
    tpu.vector_store %arg2[%swap3A, %swap3A_56], %dot_general3A_55 {strides = array<i32>} : memref<45x32xf32, #tpu.memory_space<vmem>>, vector<45x32xf32>,
    return
  }
}

module attributes {stable_mosaic.version = 14 : i64} {
  func.func @_gcn_tc_kernel(%arg0: memref<16x16xf32, #tpu.memory_space<vmem>>, %arg1: memref<45x32xf32, #tpu.memory_space<vmem>>, %arg2: memref<32xf32, #tpu.memory_space<vmem>>, %arg3: memref<32x32xf32, #tpu.memory_space<vmem>>, %arg4: memref<32xf32, #tpu.memory_space<vmem>>, %arg5: memref<2x96xf32, #tpu.memory_space<vmem>>, %arg6: memref<2xf32, #tpu.memory_space<vmem>>, %arg7: memref<1x2xf32, #tpu.memory_space<vmem>>) attributes {dimension_semantics = [], scalar_prefetch = 0 : i64, scratch_operands = 0 : i64, tpu.core_type = #tpu.core_type<tc>} {
    %get3A = arith.constant 0 : index
    %get3A_0 = arith.constant 0 : index
    %get3A_1 = vector.load %arg0[%get3A, %get3A_0] : memref<16x16xf32, #tpu.memory_space<vmem>>, vector<16x16xf32>
    %slice3A = vector.extract_strided_slice %get3A_1 {offsets = [0, 0], sizes = [9, 15], strides = [1, 1]} : vector<16x16xf32> to vector<9x15xf32>
    %slice3A_2 = vector.extract_strided_slice %get3A_1 {offsets = [9, 0], sizes = [3, 15], strides = [1, 1]} : vector<16x16xf32> to vector<3x15xf32>
    %slice3A_3 = vector.extract_strided_slice %get3A_1 {offsets = [12, 0], sizes = [3, 15], strides = [1, 1]} : vector<16x16xf32> to vector<3x15xf32>
    %rsqrt3A = math.rsqrt %slice3A_2 : vector<3x15xf32>
    %mul3A = arith.constant 5.000000e-01 : f32
    %mul3A_4 = vector.broadcast %mul3A : f32 to vector<3x15xf32>
    %mul3A_5 = arith.mulf %mul3A_4, %slice3A_2 : vector<3x15xf32>
    %mul3A_6 = arith.mulf %mul3A_5, %rsqrt3A : vector<3x15xf32>
    %mul3A_7 = arith.mulf %mul3A_6, %rsqrt3A : vector<3x15xf32>
    %sub3A = arith.constant 1.500000e+00 : f32
    %sub3A_8 = vector.broadcast %sub3A : f32 to vector<3x15xf32>
    %sub3A_9 = arith.subf %sub3A_8, %mul3A_7 : vector<3x15xf32>
    %mul3A_10 = arith.mulf %rsqrt3A, %sub3A_9 : vector<3x15xf32>
    %gt3A = arith.constant 0.000000e+00 : f32
    %gt3A_11 = vector.broadcast %gt3A : f32 to vector<3x15xf32>
    %gt3A_12 = arith.cmpf ogt, %slice3A_2, %gt3A_11 : vector<3x15xf32>
    %broadcast_in_dim3A = arith.constant 0.000000e+00 : f32
    %broadcast_in_dim3A_13 = vector.broadcast %broadcast_in_dim3A : f32 to vector<3x15xf32>
    %select_n3A = arith.select %gt3A_12, %mul3A_10, %broadcast_in_dim3A_13 : vector<3x15xi1>, vector<3x15xf32>
    %iota3A = tpu.iota {dimensions = array<i32: 0>} : vector<9x3xi32>
    %iota3A_14 = tpu.iota {dimensions = array<i32: 1>} : vector<9x3xi32>
    %jit3A = arith.constant 3 : i32
    %div3A = vector.broadcast %jit3A : i32 to vector<9x3xi32>
    %div3A_15 = arith.divsi %iota3A, %div3A : vector<9x3xi32>
    %sign3A = arith.constant 0 : i32
    %sign3A_16 = vector.broadcast %sign3A : i32 to vector<9x3xi32>
    %sign3A_17 = arith.cmpi sgt, %iota3A, %sign3A_16 : vector<9x3xi32>
    %sign3A_18 = arith.extui %sign3A_17 : vector<9x3xi1> to vector<9x3xi32>
    %sign3A_19 = arith.constant 0 : i32
    %sign3A_20 = vector.broadcast %sign3A_19 : i32 to vector<9x3xi32>
    %sign3A_21 = arith.cmpi slt, %iota3A, %sign3A_20 : vector<9x3xi32>
    %sign3A_22 = arith.extui %sign3A_21 : vector<9x3xi1> to vector<9x3xi32>
    %sign3A_23 = arith.subi %sign3A_18, %sign3A_22 : vector<9x3xi32>
    %sign3A_24 = arith.constant 0 : i32
    %sign3A_25 = arith.cmpi sgt, %jit3A, %sign3A_24 : i32
    %sign3A_26 = arith.extui %sign3A_25 : i1 to i32
    %sign3A_27 = arith.constant 0 : i32
    %sign3A_28 = arith.cmpi slt, %jit3A, %sign3A_27 : i32
    %sign3A_29 = arith.extui %sign3A_28 : i1 to i32
    %sign3A_30 = arith.subi %sign3A_26, %sign3A_29 : i32
    %ne3A = vector.broadcast %sign3A_30 : i32 to vector<9x3xi32>
    %ne3A_31 = arith.cmpi ne, %sign3A_23, %ne3A : vector<9x3xi32>
    %rem3A = vector.broadcast %jit3A : i32 to vector<9x3xi32>
    %rem3A_32 = arith.remsi %iota3A, %rem3A : vector<9x3xi32>
    %ne3A_33 = arith.constant 0 : i32
    %ne3A_34 = vector.broadcast %ne3A_33 : i32 to vector<9x3xi32>
    %ne3A_35 = arith.cmpi ne, %rem3A_32, %ne3A_34 : vector<9x3xi32>
    %and3A = arith.andi %ne3A_31, %ne3A_35 : vector<9x3xi1>
    %sub3A_36 = arith.constant 1 : i32
    %sub3A_37 = vector.broadcast %sub3A_36 : i32 to vector<9x3xi32>
    %sub3A_38 = arith.subi %div3A_15, %sub3A_37 : vector<9x3xi32>
    %select_n3A_39 = arith.select %and3A, %sub3A_38, %div3A_15 : vector<9x3xi1>, vector<9x3xi32>
    %eq3A = arith.cmpi eq, %select_n3A_39, %iota3A_14 : vector<9x3xi32>
    %convert_element_type3A = arith.extui %eq3A : vector<9x3xi1> to vector<9x3xi32>
    %convert_element_type3A_40 = arith.sitofp %convert_element_type3A : vector<9x3xi32> to vector<9x3xf32>
    %jit3A_41 = arith.constant 3 : i32
    %eq3A_42 = arith.constant 0 : i32
    %eq3A_43 = arith.cmpi eq, %jit3A_41, %eq3A_42 : i32
    %jit3A_44 = arith.constant 1 : i32
    %select_n3A_45 = arith.select %eq3A_43, %jit3A_44, %jit3A_41 : i32
    %rem3A_46 = vector.broadcast %select_n3A_45 : i32 to vector<9x3xi32>
    %rem3A_47 = arith.remsi %iota3A, %rem3A_46 : vector<9x3xi32>
    %ne3A_48 = arith.constant 0 : i32
    %ne3A_49 = vector.broadcast %ne3A_48 : i32 to vector<9x3xi32>
    %ne3A_50 = arith.cmpi ne, %rem3A_47, %ne3A_49 : vector<9x3xi32>
    %lt3A = arith.constant 0 : i32
    %lt3A_51 = vector.broadcast %lt3A : i32 to vector<9x3xi32>
    %lt3A_52 = arith.cmpi slt, %rem3A_47, %lt3A_51 : vector<9x3xi32>
    %lt3A_53 = arith.constant 0 : i32
    %lt3A_54 = arith.cmpi slt, %select_n3A_45, %lt3A_53 : i32
    %ne3A_55 = vector.broadcast %lt3A_54 : i1 to vector<9x3xi1>
    %ne3A_56 = vector.broadcast %ne3A_55 : vector<9x3xi1> to vector<9x3xi1>
    %ne3A_57 = arith.xori %lt3A_52, %ne3A_56 : vector<9x3xi1>
    %and3A_58 = arith.andi %ne3A_57, %ne3A_50 : vector<9x3xi1>
    %add3A = vector.broadcast %select_n3A_45 : i32 to vector<9x3xi32>
    %add3A_59 = arith.addi %rem3A_47, %add3A : vector<9x3xi32>
    %select_n3A_60 = arith.select %and3A_58, %add3A_59, %rem3A_47 : vector<9x3xi1>, vector<9x3xi32>
    %eq3A_61 = arith.cmpi eq, %select_n3A_60, %iota3A_14 : vector<9x3xi32>
    %convert_element_type3A_62 = arith.extui %eq3A_61 : vector<9x3xi1> to vector<9x3xi32>
    %convert_element_type3A_63 = arith.sitofp %convert_element_type3A_62 : vector<9x3xi32> to vector<9x3xf32>
    %dot_general3A = arith.constant dense<0.000000e+00> : vector<9x15xf32>
    %dot_general3A_64 = tpu.matmul %convert_element_type3A_40, %select_n3A, %dot_general3A {dimension_numbers = #tpu.dot_dimension_numbers<[1], [0], [0], [1], [0, 0, 1, 1], [], []>, transpose_lhs_hint = false} : vector<9x3xf32>, vector<3x15xf32>, vector<9x15xf32> -> vector<9x15xf32>
    %dot_general3A_65 = arith.constant dense<0.000000e+00> : vector<9x15xf32>
    %dot_general3A_66 = tpu.matmul %convert_element_type3A_63, %select_n3A, %dot_general3A_65 {dimension_numbers = #tpu.dot_dimension_numbers<[1], [0], [0], [1], [0, 0, 1, 1], [], []>, transpose_lhs_hint = false} : vector<9x3xf32>, vector<3x15xf32>, vector<9x15xf32> -> vector<9x15xf32>
    %mul3A_67 = arith.mulf %dot_general3A_64, %dot_general3A_66 : vector<9x15xf32>
    %mul3A_68 = arith.mulf %convert_element_type3A_40, %convert_element_type3A_63 : vector<9x3xf32>
    %dot_general3A_69 = arith.constant dense<0.000000e+00> : vector<9x15xf32>
    %dot_general3A_70 = tpu.matmul %mul3A_68, %slice3A_3, %dot_general3A_69 {dimension_numbers = #tpu.dot_dimension_numbers<[1], [0], [0], [1], [0, 0, 1, 1], [], []>, transpose_lhs_hint = false} : vector<9x3xf32>, vector<3x15xf32>, vector<9x15xf32> -> vector<9x15xf32>
    %add3A_71 = arith.addf %slice3A, %dot_general3A_70 : vector<9x15xf32>
    %mul3A_72 = arith.mulf %mul3A_67, %add3A_71 : vector<9x15xf32>
    %iota3A_73 = tpu.iota {dimensions = array<i32: 0>} : vector<9x9xi32>
    %iota3A_74 = tpu.iota {dimensions = array<i32: 1>} : vector<9x9xi32>
    %eq3A_75 = arith.cmpi eq, %iota3A_73, %iota3A_74 : vector<9x9xi32>
    %convert_element_type3A_76 = arith.extui %eq3A_75 : vector<9x9xi1> to vector<9x9xi32>
    %convert_element_type3A_77 = arith.sitofp %convert_element_type3A_76 : vector<9x9xi32> to vector<9x9xf32>
    %dot_general3A_78 = arith.constant dense<0.000000e+00> : vector<15x9xf32>
    %dot_general3A_79 = tpu.matmul %mul3A_72, %convert_element_type3A_77, %dot_general3A_78 {dimension_numbers = #tpu.dot_dimension_numbers<[0], [0], [1], [1], [0, 1, 1, 1], [], []>, transpose_lhs_hint = false} : vector<9x15xf32>, vector<9x9xf32>, vector<15x9xf32> -> vector<15x9xf32>
    %get3A_80 = arith.constant 0 : index
    %get3A_81 = arith.constant 0 : index
    %get3A_82 = vector.load %arg1[%get3A_80, %get3A_81] : memref<45x32xf32, #tpu.memory_space<vmem>>, vector<45x32xf32>
    %get3A_83 = arith.constant 0 : index
    %get3A_84 = vector.load %arg2[%get3A_83] : memref<32xf32, #tpu.memory_space<vmem>>, vector<32xf32>
    %reshape3A = vector.shape_cast %get3A_84 : vector<32xf32> to vector<1x32xf32>
    %broadcast_in_dim3A_85 = vector.shape_cast %reshape3A : vector<1x32xf32> to vector<1x32xf32>
    %broadcast_in_dim3A_86 = vector.broadcast %broadcast_in_dim3A_85 : vector<1x32xf32> to vector<15x32xf32>
    %slice3A_87 = vector.extract_strided_slice %dot_general3A_79 {offsets = [0, 0], sizes = [15, 1], strides = [1, 1]} : vector<15x9xf32> to vector<15x1xf32>
    %slice3A_88 = vector.extract_strided_slice %get3A_82 {offsets = [0, 0], sizes = [15, 32], strides = [1, 1]} : vector<45x32xf32> to vector<15x32xf32>
    %mul3A_89 = vector.broadcast %slice3A_87 : vector<15x1xf32> to vector<15x32xf32>
    %mul3A_90 = arith.mulf %mul3A_89, %slice3A_88 : vector<15x32xf32>
    %add3A_91 = arith.addf %broadcast_in_dim3A_86, %mul3A_90 : vector<15x32xf32>
    %slice3A_92 = vector.extract_strided_slice %dot_general3A_79 {offsets = [0, 1], sizes = [15, 1], strides = [1, 1]} : vector<15x9xf32> to vector<15x1xf32>
    %slice3A_93 = vector.extract_strided_slice %get3A_82 {offsets = [15, 0], sizes = [15, 32], strides = [1, 1]} : vector<45x32xf32> to vector<15x32xf32>
    %mul3A_94 = vector.broadcast %slice3A_92 : vector<15x1xf32> to vector<15x32xf32>
    %mul3A_95 = arith.mulf %mul3A_94, %slice3A_93 : vector<15x32xf32>
    %add3A_96 = arith.addf %add3A_91, %mul3A_95 : vector<15x32xf32>
    %slice3A_97 = vector.extract_strided_slice %dot_general3A_79 {offsets = [0, 2], sizes = [15, 1], strides = [1, 1]} : vector<15x9xf32> to vector<15x1xf32>
    %slice3A_98 = vector.extract_strided_slice %get3A_82 {offsets = [30, 0], sizes = [15, 32], strides = [1, 1]} : vector<45x32xf32> to vector<15x32xf32>
    %mul3A_99 = vector.broadcast %slice3A_97 : vector<15x1xf32> to vector<15x32xf32>
    %mul3A_100 = arith.mulf %mul3A_99, %slice3A_98 : vector<15x32xf32>
    %add3A_101 = arith.addf %add3A_96, %mul3A_100 : vector<15x32xf32>
    %max3A = arith.constant 0.000000e+00 : f32
    %max3A_102 = vector.broadcast %max3A : f32 to vector<15x32xf32>
    %max3A_103 = arith.maximumf %add3A_101, %max3A_102 : vector<15x32xf32>
    %broadcast_in_dim3A_104 = vector.shape_cast %reshape3A : vector<1x32xf32> to vector<1x32xf32>
    %broadcast_in_dim3A_105 = vector.broadcast %broadcast_in_dim3A_104 : vector<1x32xf32> to vector<15x32xf32>
    %slice3A_106 = vector.extract_strided_slice %dot_general3A_79 {offsets = [0, 3], sizes = [15, 1], strides = [1, 1]} : vector<15x9xf32> to vector<15x1xf32>
    %slice3A_107 = vector.extract_strided_slice %get3A_82 {offsets = [0, 0], sizes = [15, 32], strides = [1, 1]} : vector<45x32xf32> to vector<15x32xf32>
    %mul3A_108 = vector.broadcast %slice3A_106 : vector<15x1xf32> to vector<15x32xf32>
    %mul3A_109 = arith.mulf %mul3A_108, %slice3A_107 : vector<15x32xf32>
    %add3A_110 = arith.addf %broadcast_in_dim3A_105, %mul3A_109 : vector<15x32xf32>
    %slice3A_111 = vector.extract_strided_slice %dot_general3A_79 {offsets = [0, 4], sizes = [15, 1], strides = [1, 1]} : vector<15x9xf32> to vector<15x1xf32>
    %slice3A_112 = vector.extract_strided_slice %get3A_82 {offsets = [15, 0], sizes = [15, 32], strides = [1, 1]} : vector<45x32xf32> to vector<15x32xf32>
    %mul3A_113 = vector.broadcast %slice3A_111 : vector<15x1xf32> to vector<15x32xf32>
    %mul3A_114 = arith.mulf %mul3A_113, %slice3A_112 : vector<15x32xf32>
    %add3A_115 = arith.addf %add3A_110, %mul3A_114 : vector<15x32xf32>
    %slice3A_116 = vector.extract_strided_slice %dot_general3A_79 {offsets = [0, 5], sizes = [15, 1], strides = [1, 1]} : vector<15x9xf32> to vector<15x1xf32>
    %slice3A_117 = vector.extract_strided_slice %get3A_82 {offsets = [30, 0], sizes = [15, 32], strides = [1, 1]} : vector<45x32xf32> to vector<15x32xf32>
    %mul3A_118 = vector.broadcast %slice3A_116 : vector<15x1xf32> to vector<15x32xf32>
    %mul3A_119 = arith.mulf %mul3A_118, %slice3A_117 : vector<15x32xf32>
    %add3A_120 = arith.addf %add3A_115, %mul3A_119 : vector<15x32xf32>
    %max3A_121 = arith.constant 0.000000e+00 : f32
    %max3A_122 = vector.broadcast %max3A_121 : f32 to vector<15x32xf32>
    %max3A_123 = arith.maximumf %add3A_120, %max3A_122 : vector<15x32xf32>
    %broadcast_in_dim3A_124 = vector.shape_cast %reshape3A : vector<1x32xf32> to vector<1x32xf32>
    %broadcast_in_dim3A_125 = vector.broadcast %broadcast_in_dim3A_124 : vector<1x32xf32> to vector<15x32xf32>
    %slice3A_126 = vector.extract_strided_slice %dot_general3A_79 {offsets = [0, 6], sizes = [15, 1], strides = [1, 1]} : vector<15x9xf32> to vector<15x1xf32>
    %slice3A_127 = vector.extract_strided_slice %get3A_82 {offsets = [0, 0], sizes = [15, 32], strides = [1, 1]} : vector<45x32xf32> to vector<15x32xf32>
    %mul3A_128 = vector.broadcast %slice3A_126 : vector<15x1xf32> to vector<15x32xf32>
    %mul3A_129 = arith.mulf %mul3A_128, %slice3A_127 : vector<15x32xf32>
    %add3A_130 = arith.addf %broadcast_in_dim3A_125, %mul3A_129 : vector<15x32xf32>
    %slice3A_131 = vector.extract_strided_slice %dot_general3A_79 {offsets = [0, 7], sizes = [15, 1], strides = [1, 1]} : vector<15x9xf32> to vector<15x1xf32>
    %slice3A_132 = vector.extract_strided_slice %get3A_82 {offsets = [15, 0], sizes = [15, 32], strides = [1, 1]} : vector<45x32xf32> to vector<15x32xf32>
    %mul3A_133 = vector.broadcast %slice3A_131 : vector<15x1xf32> to vector<15x32xf32>
    %mul3A_134 = arith.mulf %mul3A_133, %slice3A_132 : vector<15x32xf32>
    %add3A_135 = arith.addf %add3A_130, %mul3A_134 : vector<15x32xf32>
    %slice3A_136 = vector.extract_strided_slice %dot_general3A_79 {offsets = [0, 8], sizes = [15, 1], strides = [1, 1]} : vector<15x9xf32> to vector<15x1xf32>
    %slice3A_137 = vector.extract_strided_slice %get3A_82 {offsets = [30, 0], sizes = [15, 32], strides = [1, 1]} : vector<45x32xf32> to vector<15x32xf32>
    %mul3A_138 = vector.broadcast %slice3A_136 : vector<15x1xf32> to vector<15x32xf32>
    %mul3A_139 = arith.mulf %mul3A_138, %slice3A_137 : vector<15x32xf32>
    %add3A_140 = arith.addf %add3A_135, %mul3A_139 : vector<15x32xf32>
    %max3A_141 = arith.constant 0.000000e+00 : f32
    %max3A_142 = vector.broadcast %max3A_141 : f32 to vector<15x32xf32>
    %max3A_143 = arith.maximumf %add3A_140, %max3A_142 : vector<15x32xf32>
    %concatenate3A = tpu.concatenate %max3A_103, %max3A_123, %max3A_143 in 0 : vector<15x32xf32>, vector<15x32xf32>, vector<15x32xf32> -> vector<45x32xf32>
    %get3A_144 = arith.constant 0 : index
    %get3A_145 = arith.constant 0 : index
    %get3A_146 = vector.load %arg3[%get3A_144, %get3A_145] : memref<32x32xf32, #tpu.memory_space<vmem>>, vector<32x32xf32>
    %dot_general3A_147 = arith.constant dense<0.000000e+00> : vector<45x32xf32>
    %dot_general3A_148 = tpu.matmul %concatenate3A, %get3A_146, %dot_general3A_147 {dimension_numbers = #tpu.dot_dimension_numbers<[1], [1], [0], [0], [0, 0, 1, 0], [], []>, precision = #tpu.contract_precision<fp32>, transpose_lhs_hint = false} : vector<45x32xf32>, vector<32x32xf32>, vector<45x32xf32> -> vector<45x32xf32>
    %get3A_149 = arith.constant 0 : index
    %get3A_150 = vector.load %arg4[%get3A_149] : memref<32xf32, #tpu.memory_space<vmem>>, vector<32xf32>
    %reshape3A_151 = vector.shape_cast %get3A_150 : vector<32xf32> to vector<1x32xf32>
    %get3A_152 = arith.constant 0 : index
    %get3A_153 = arith.constant 0 : index
    %get3A_154 = vector.load %arg5[%get3A_152, %get3A_153] : memref<2x96xf32, #tpu.memory_space<vmem>>, vector<2x96xf32>
    %get3A_155 = arith.constant 0 : index
    %get3A_156 = vector.load %arg6[%get3A_155] : memref<2xf32, #tpu.memory_space<vmem>>, vector<2xf32>
    %reshape3A_157 = vector.shape_cast %get3A_156 : vector<2xf32> to vector<1x2xf32>
    %broadcast_in_dim3A_158 = vector.shape_cast %reshape3A_151 : vector<1x32xf32> to vector<1x32xf32>
    %broadcast_in_dim3A_159 = vector.broadcast %broadcast_in_dim3A_158 : vector<1x32xf32> to vector<15x32xf32>
    %slice3A_160 = vector.extract_strided_slice %dot_general3A_79 {offsets = [0, 0], sizes = [15, 1], strides = [1, 1]} : vector<15x9xf32> to vector<15x1xf32>
    %slice3A_161 = vector.extract_strided_slice %dot_general3A_148 {offsets = [0, 0], sizes = [15, 32], strides = [1, 1]} : vector<45x32xf32> to vector<15x32xf32>
    %mul3A_162 = vector.broadcast %slice3A_160 : vector<15x1xf32> to vector<15x32xf32>
    %mul3A_163 = arith.mulf %mul3A_162, %slice3A_161 : vector<15x32xf32>
    %add3A_164 = arith.addf %broadcast_in_dim3A_159, %mul3A_163 : vector<15x32xf32>
    %slice3A_165 = vector.extract_strided_slice %dot_general3A_79 {offsets = [0, 1], sizes = [15, 1], strides = [1, 1]} : vector<15x9xf32> to vector<15x1xf32>
    %slice3A_166 = vector.extract_strided_slice %dot_general3A_148 {offsets = [15, 0], sizes = [15, 32], strides = [1, 1]} : vector<45x32xf32> to vector<15x32xf32>
    %mul3A_167 = vector.broadcast %slice3A_165 : vector<15x1xf32> to vector<15x32xf32>
    %mul3A_168 = arith.mulf %mul3A_167, %slice3A_166 : vector<15x32xf32>
    %add3A_169 = arith.addf %add3A_164, %mul3A_168 : vector<15x32xf32>
    %slice3A_170 = vector.extract_strided_slice %dot_general3A_79 {offsets = [0, 2], sizes = [15, 1], strides = [1, 1]} : vector<15x9xf32> to vector<15x1xf32>
    %slice3A_171 = vector.extract_strided_slice %dot_general3A_148 {offsets = [30, 0], sizes = [15, 32], strides = [1, 1]} : vector<45x32xf32> to vector<15x32xf32>
    %mul3A_172 = vector.broadcast %slice3A_170 : vector<15x1xf32> to vector<15x32xf32>
    %mul3A_173 = arith.mulf %mul3A_172, %slice3A_171 : vector<15x32xf32>
    %add3A_174 = arith.addf %add3A_169, %mul3A_173 : vector<15x32xf32>
    %reduce_sum3A = arith.constant dense<0.000000e+00> : vector<32xf32>
    %reduce_sum3A_175 = vector.multi_reduction <add>, %add3A_174, %reduce_sum3A [0] : vector<15x32xf32> to vector<32xf32>
    %broadcast_in_dim3A_176 = vector.shape_cast %reduce_sum3A_175 : vector<32xf32> to vector<1x32xf32>
    %mul3A_177 = arith.constant 0.0666666701 : f32
    %mul3A_178 = vector.broadcast %mul3A_177 : f32 to vector<1x32xf32>
    %mul3A_179 = arith.mulf %broadcast_in_dim3A_176, %mul3A_178 : vector<1x32xf32>
    %slice3A_180 = vector.extract_strided_slice %get3A_154 {offsets = [0, 0], sizes = [2, 32], strides = [1, 1]} : vector<2x96xf32> to vector<2x32xf32>
    %dot_general3A_181 = arith.constant dense<0.000000e+00> : vector<1x2xf32>
    %dot_general3A_182 = tpu.matmul %mul3A_179, %slice3A_180, %dot_general3A_181 {dimension_numbers = #tpu.dot_dimension_numbers<[1], [1], [0], [0], [0, 0, 1, 0], [], []>, precision = #tpu.contract_precision<fp32>, transpose_lhs_hint = false} : vector<1x32xf32>, vector<2x32xf32>, vector<1x2xf32> -> vector<1x2xf32>
    %add3A_183 = arith.addf %reshape3A_157, %dot_general3A_182 : vector<1x2xf32>
    %broadcast_in_dim3A_184 = vector.shape_cast %reshape3A_151 : vector<1x32xf32> to vector<1x32xf32>
    %broadcast_in_dim3A_185 = vector.broadcast %broadcast_in_dim3A_184 : vector<1x32xf32> to vector<15x32xf32>
    %slice3A_186 = vector.extract_strided_slice %dot_general3A_79 {offsets = [0, 3], sizes = [15, 1], strides = [1, 1]} : vector<15x9xf32> to vector<15x1xf32>
    %slice3A_187 = vector.extract_strided_slice %dot_general3A_148 {offsets = [0, 0], sizes = [15, 32], strides = [1, 1]} : vector<45x32xf32> to vector<15x32xf32>
    %mul3A_188 = vector.broadcast %slice3A_186 : vector<15x1xf32> to vector<15x32xf32>
    %mul3A_189 = arith.mulf %mul3A_188, %slice3A_187 : vector<15x32xf32>
    %add3A_190 = arith.addf %broadcast_in_dim3A_185, %mul3A_189 : vector<15x32xf32>
    %slice3A_191 = vector.extract_strided_slice %dot_general3A_79 {offsets = [0, 4], sizes = [15, 1], strides = [1, 1]} : vector<15x9xf32> to vector<15x1xf32>
    %slice3A_192 = vector.extract_strided_slice %dot_general3A_148 {offsets = [15, 0], sizes = [15, 32], strides = [1, 1]} : vector<45x32xf32> to vector<15x32xf32>
    %mul3A_193 = vector.broadcast %slice3A_191 : vector<15x1xf32> to vector<15x32xf32>
    %mul3A_194 = arith.mulf %mul3A_193, %slice3A_192 : vector<15x32xf32>
    %add3A_195 = arith.addf %add3A_190, %mul3A_194 : vector<15x32xf32>
    %slice3A_196 = vector.extract_strided_slice %dot_general3A_79 {offsets = [0, 5], sizes = [15, 1], strides = [1, 1]} : vector<15x9xf32> to vector<15x1xf32>
    %slice3A_197 = vector.extract_strided_slice %dot_general3A_148 {offsets = [30, 0], sizes = [15, 32], strides = [1, 1]} : vector<45x32xf32> to vector<15x32xf32>
    %mul3A_198 = vector.broadcast %slice3A_196 : vector<15x1xf32> to vector<15x32xf32>
    %mul3A_199 = arith.mulf %mul3A_198, %slice3A_197 : vector<15x32xf32>
    %add3A_200 = arith.addf %add3A_195, %mul3A_199 : vector<15x32xf32>
    %reduce_sum3A_201 = arith.constant dense<0.000000e+00> : vector<32xf32>
    %reduce_sum3A_202 = vector.multi_reduction <add>, %add3A_200, %reduce_sum3A_201 [0] : vector<15x32xf32> to vector<32xf32>
    %broadcast_in_dim3A_203 = vector.shape_cast %reduce_sum3A_202 : vector<32xf32> to vector<1x32xf32>
    %mul3A_204 = arith.constant 0.0666666701 : f32
    %mul3A_205 = vector.broadcast %mul3A_204 : f32 to vector<1x32xf32>
    %mul3A_206 = arith.mulf %broadcast_in_dim3A_203, %mul3A_205 : vector<1x32xf32>
    %slice3A_207 = vector.extract_strided_slice %get3A_154 {offsets = [0, 32], sizes = [2, 32], strides = [1, 1]} : vector<2x96xf32> to vector<2x32xf32>
    %dot_general3A_208 = arith.constant dense<0.000000e+00> : vector<1x2xf32>
    %dot_general3A_209 = tpu.matmul %mul3A_206, %slice3A_207, %dot_general3A_208 {dimension_numbers = #tpu.dot_dimension_numbers<[1], [1], [0], [0], [0, 0, 1, 0], [], []>, precision = #tpu.contract_precision<fp32>, transpose_lhs_hint = false} : vector<1x32xf32>, vector<2x32xf32>, vector<1x2xf32> -> vector<1x2xf32>
    %add3A_210 = arith.addf %add3A_183, %dot_general3A_209 : vector<1x2xf32>
    %broadcast_in_dim3A_211 = vector.shape_cast %reshape3A_151 : vector<1x32xf32> to vector<1x32xf32>
    %broadcast_in_dim3A_212 = vector.broadcast %broadcast_in_dim3A_211 : vector<1x32xf32> to vector<15x32xf32>
    %slice3A_213 = vector.extract_strided_slice %dot_general3A_79 {offsets = [0, 6], sizes = [15, 1], strides = [1, 1]} : vector<15x9xf32> to vector<15x1xf32>
    %slice3A_214 = vector.extract_strided_slice %dot_general3A_148 {offsets = [0, 0], sizes = [15, 32], strides = [1, 1]} : vector<45x32xf32> to vector<15x32xf32>
    %mul3A_215 = vector.broadcast %slice3A_213 : vector<15x1xf32> to vector<15x32xf32>
    %mul3A_216 = arith.mulf %mul3A_215, %slice3A_214 : vector<15x32xf32>
    %add3A_217 = arith.addf %broadcast_in_dim3A_212, %mul3A_216 : vector<15x32xf32>
    %slice3A_218 = vector.extract_strided_slice %dot_general3A_79 {offsets = [0, 7], sizes = [15, 1], strides = [1, 1]} : vector<15x9xf32> to vector<15x1xf32>
    %slice3A_219 = vector.extract_strided_slice %dot_general3A_148 {offsets = [15, 0], sizes = [15, 32], strides = [1, 1]} : vector<45x32xf32> to vector<15x32xf32>
    %mul3A_220 = vector.broadcast %slice3A_218 : vector<15x1xf32> to vector<15x32xf32>
    %mul3A_221 = arith.mulf %mul3A_220, %slice3A_219 : vector<15x32xf32>
    %add3A_222 = arith.addf %add3A_217, %mul3A_221 : vector<15x32xf32>
    %slice3A_223 = vector.extract_strided_slice %dot_general3A_79 {offsets = [0, 8], sizes = [15, 1], strides = [1, 1]} : vector<15x9xf32> to vector<15x1xf32>
    %slice3A_224 = vector.extract_strided_slice %dot_general3A_148 {offsets = [30, 0], sizes = [15, 32], strides = [1, 1]} : vector<45x32xf32> to vector<15x32xf32>
    %mul3A_225 = vector.broadcast %slice3A_223 : vector<15x1xf32> to vector<15x32xf32>
    %mul3A_226 = arith.mulf %mul3A_225, %slice3A_224 : vector<15x32xf32>
    %add3A_227 = arith.addf %add3A_222, %mul3A_226 : vector<15x32xf32>
    %reduce_sum3A_228 = arith.constant dense<0.000000e+00> : vector<32xf32>
    %reduce_sum3A_229 = vector.multi_reduction <add>, %add3A_227, %reduce_sum3A_228 [0] : vector<15x32xf32> to vector<32xf32>
    %broadcast_in_dim3A_230 = vector.shape_cast %reduce_sum3A_229 : vector<32xf32> to vector<1x32xf32>
    %mul3A_231 = arith.constant 0.0666666701 : f32
    %mul3A_232 = vector.broadcast %mul3A_231 : f32 to vector<1x32xf32>
    %mul3A_233 = arith.mulf %broadcast_in_dim3A_230, %mul3A_232 : vector<1x32xf32>
    %slice3A_234 = vector.extract_strided_slice %get3A_154 {offsets = [0, 64], sizes = [2, 32], strides = [1, 1]} : vector<2x96xf32> to vector<2x32xf32>
    %dot_general3A_235 = arith.constant dense<0.000000e+00> : vector<1x2xf32>
    %dot_general3A_236 = tpu.matmul %mul3A_233, %slice3A_234, %dot_general3A_235 {dimension_numbers = #tpu.dot_dimension_numbers<[1], [1], [0], [0], [0, 0, 1, 0], [], []>, precision = #tpu.contract_precision<fp32>, transpose_lhs_hint = false} : vector<1x32xf32>, vector<2x32xf32>, vector<1x2xf32> -> vector<1x2xf32>
    %add3A_237 = arith.addf %add3A_210, %dot_general3A_236 : vector<1x2xf32>
    %swap3A = arith.constant 0 : index
    %swap3A_238 = arith.constant 0 : index
    %swap3A_239 = vector.load %arg7[%swap3A, %swap3A_238] : memref<1x2xf32, #tpu.memory_space<vmem>>, vector<1x2xf32>
    tpu.vector_store %arg7[%swap3A, %swap3A_238], %add3A_237 {strides = array<i32>} : memref<1x2xf32, #tpu.memory_space<vmem>>, vector<1x2xf32>,
    return
  }
}

</mosaic_0001>

<sc_bundles>
// kernel: kernel.5.cloned.1.call-start
scs
__scs_entry_jumppad:
0x0: {  	(pc) =	sbr.rel $0x88, $3  }
0x1: {  	(tag) =	ssettag $0x0;
	lr =	simm.s32 $0x1  }
0x2: {  	[smem:$0x3F98] =	sst lr;
	_ =	strace $0xD0000000  }
0x3: {  	_ = 	snop  }
0x4: {  	_ = 	snop  }
0x5: {  	_ = 	snop  }
0x6: {  	_ = 	snop  }
0x7: {  	_ = 	snop  }
__scs_overlays_trampoline_lowered:
0x8: {  	[smem:$0x3FA7] =	sst s0  }
0x9: {  	[smem:$0x3FA8] =	sst s1  }
0xa: {  	[smem:$0x3FA9] =	sst s2  }
0xb: {  	[smem:$0x3FAA] =	sst s3  }
0xc: {  	[smem:$0x3FAB] =	sst s4  }
0xd: {  	[smem:$0x3FAC] =	sst s5  }
0xe: {  	[smem:$0x3FAD] =	sst s6  }
0xf: {  	[smem:$0x3FAE] =	sst s7  }
0x10: {  	[smem:$0x3FAF] =	sst s8  }
0x11: {  	[smem:$0x3FB0] =	sst s9;
	s0 =	simm.s32 @!p0 $0x0  }
0x12: {  	s1 =	sld [smem:$0x3F96];
	s0 =	simm.s32 @p0 $0x1  }
0x13: {  	[smem:$0x3FB1] =	sst s0;
	s0 =	simm.s32 @!p1 $0x0  }
0x14: {  	s2 =	sld [smem:$0x3F95];
	s0 =	simm.s32 @p1 $0x1  }
0x15: {  	[smem:$0x3FB2] =	sst s0;
	s0 =	simm.s32 @!p2 $0x0  }
0x16: {  	s3 =	sld [smem:$0x3FDB];
	s0 =	simm.s32 @p2 $0x1  }
0x17: {  	s4 =	simm.s32 $0x1BF5;
	[smem:$0x3FB4] =	sst s0  }
0x18: {  	s0 =	sld [smem:$0x3F97];
	_ =	swait.ge [sflag:s4], $0x0  }
0x19: {  	s7 =	sld [smem:$0x3F98]  }
0x1a: {  	s8 =	sadd.s32 $0xFFFFE003, lr  }
0x1b: {  	s9 =	sadd.s32 $0xFFFFFEF7, lr;
	s5 =	simm.s32 $0xFFFFFFFF;
	p2 =	slt.u32 s8, $0xFFFFF086  }
0x1c: {  	p1 =	slt.u32 s9, $0xF7A;
	s5 =	simm.s32 @!p2 $0x0  }
0x1d: {  	s5 =	simm.s32 @p1 $0x1;
	p0 =	seq.s32 s7, s2  }
0x1e: {  	s7 =	smul.u32 @!p0 $0xF7A, s2;
	p2 =	seq.s32 @!p0 s5, $0x0  }
0x1f: {  	s9 =	smul.u32 $0xF7A, s1;
	s8 =	simm.s32 @!p0 $0x1BF5;
	p2 =	por !p2, p0  }
0x20: {  	[sflag:s8] =	ssyncset.s32 @!p0 $0xFFFFF086;
	s6 =	sadd.s32 @!p0 s3, s7;
	s7 =	simm.s32 @!p0 $0x108  }
0x21: {  	s3 =	sadd.s32 s3, s9;
	s6 =	sadd.s32 @!p0 $0x88, s6;
	s7 =	simm.s32 @p2 $0x1082  }
0x22: {  	[simem:s7], [sflag:s8] =	dma.local @!p0 [hbm:s6], $0xF7A  }
0x23: {  	s9 =	sor.u32 $0xD0000000, s2;
	s6 =	simm.s32 $0x108;
	_ =	swait.ge @!p0 [sflag:s8], $0x0  }
0x24: {  	s3 =	sadd.s32 $0x88, s3;
	s6 =	simm.s32 @!p1 $0x1082;
	[sflag:s4] =	ssyncset.s32 $0xFFFFF086  }
0x25: {  	[simem:s6], [sflag:s4] =	dma.local [hbm:s3], $0xF7A  }
0x26: {  	[smem:$0x3F98] =	sst s1;
	(tag) =	ssettag s2;
	_ =	strace s9  }
0x27: {  	s1 =	sld [smem:$0x3FA8]  }
0x28: {  	s2 =	sld [smem:$0x3FA9]  }
0x29: {  	s4 =	sld [smem:$0x3FAB]  }
0x2a: {  	p0 =	seq.s32 s5, $0x0;
	s5 =	sld [smem:$0x3FAC]  }
0x2b: {  	s6 =	sld [smem:$0x3FAD]  }
0x2c: {  	s7 =	sld [smem:$0x3FAE]  }
0x2d: {  	s3 =	simm.s32 $0x108;
	s8 =	sld [smem:$0x3FAF]  }
0x2e: {  	s3 =	simm.s32 @!p0 $0x1082;
	s9 =	sld [smem:$0x3FB0]  }
0x2f: {  	lr =	sadd.s32 s0, s3;
	s0 =	sld [smem:$0x3FA7]  }
0x30: {  	s3 =	sld [smem:$0x3FAA]  }
0x31: {  	[smem:$0x3FB3] =	sst s10  }
0x32: {  	s10 =	sld [smem:$0x3FB1];
	_ =	sdelay $0x3  }
0x33: {  	p0 =	seq.s32 s10, $0x1;
	s10 =	sld [smem:$0x3FB3];
	_ =	sdelay $0x3  }
0x34: {  	[smem:$0x3FB3] =	sst s10  }
0x35: {  	s10 =	sld [smem:$0x3FB2];
	_ =	sdelay $0x3  }
0x36: {  	p1 =	seq.s32 s10, $0x1;
	s10 =	sld [smem:$0x3FB3];
	_ =	sdelay $0x3  }
0x37: {  	[smem:$0x3FB3] =	sst s10  }
0x38: {  	s10 =	sld [smem:$0x3FB4]  }
0x39: {  	_ = 	snop;
	(pc) =	sbr.ind lr, $3  }
0x3a: {  	_ = 	snop  }
0x3b: {  	_ = 	snop  }
0x3c: {  	p2 =	seq.s32 s10, $0x1;
	s10 =	sld [smem:$0x3FB3]  }
0x3d: {  	_ =	shalt  }
0x3e: {  	_ =	shalt  }
0x3f: {  	_ =	shalt  }
0x40: {  	_ =	shalt  }
0x41: {  	_ =	shalt  }
0x42: {  	_ =	shalt  }
0x43: {  	_ =	shalt  }
0x44: {  	_ =	shalt  }
0x45: {  	_ =	shalt  }
0x46: {  	_ =	shalt  }
0x47: {  	_ =	shalt  }
0x48: {  	_ =	shalt  }
0x49: {  	_ =	shalt  }
0x4a: {  	_ =	shalt  }
0x4b: {  	_ =	shalt  }
0x4c: {  	_ =	shalt  }
0x4d: {  	_ =	shalt  }
0x4e: {  	_ =	shalt  }
0x4f: {  	_ =	shalt  }
0x50: {  	_ =	shalt  }
0x51: {  	_ =	shalt  }
0x52: {  	_ =	shalt  }
0x53: {  	_ =	shalt  }
0x54: {  	_ =	shalt  }
0x55: {  	_ =	shalt  }
0x56: {  	_ =	shalt  }
0x57: {  	_ =	shalt  }
0x58: {  	_ =	shalt  }
0x59: {  	_ =	shalt  }
0x5a: {  	_ =	shalt  }
0x5b: {  	_ =	shalt  }
0x5c: {  	_ =	shalt  }
0x5d: {  	_ =	shalt  }
0x5e: {  	_ =	shalt  }
0x5f: {  	_ =	shalt  }
0x60: {  	_ =	shalt  }
0x61: {  	_ =	shalt  }
0x62: {  	_ =	shalt  }
0x63: {  	_ =	shalt  }
0x64: {  	_ =	shalt  }
0x65: {  	_ =	shalt  }
0x66: {  	_ =	shalt  }
0x67: {  	_ =	shalt  }
0x68: {  	_ =	shalt  }
0x69: {  	_ =	shalt  }
0x6a: {  	_ =	shalt  }
0x6b: {  	_ =	shalt  }
0x6c: {  	_ =	shalt  }
0x6d: {  	_ =	shalt  }
0x6e: {  	_ =	shalt  }
0x6f: {  	_ =	shalt  }
0x70: {  	_ =	shalt  }
0x71: {  	_ =	shalt  }
0x72: {  	_ =	shalt  }
0x73: {  	_ =	shalt  }
0x74: {  	_ =	shalt  }
0x75: {  	_ =	shalt  }
0x76: {  	_ =	shalt  }
0x77: {  	_ =	shalt  }
0x78: {  	_ =	shalt  }
0x79: {  	_ =	shalt  }
0x7a: {  	_ =	shalt  }
0x7b: {  	_ =	shalt  }
0x7c: {  	_ =	shalt  }
0x7d: {  	_ =	shalt  }
0x7e: {  	_ =	shalt  }
0x7f: {  	_ =	shalt  }
0x80: {  	_ =	shalt  }
0x81: {  	_ =	shalt  }
0x82: {  	_ =	shalt  }
0x83: {  	_ =	shalt  }
0x84: {  	_ =	shalt  }
0x85: {  	_ =	shalt  }
0x86: {  	_ =	shalt  }
0x87: {  	_ =	shalt  }
.Lfunc_end0:
.L_simem_size_0:
called_computation_lowered:
.L_overlay_start_0:
0x88: {  	s2 =	sld [smem:$0x3FD9]  }
0x89: {  	s3 =	sld [smem:$0x3FFE];
	_ =	sdelay $0x1  }
0x8a: {  	s1 =	srdreg.scid  }
0x8b: {  	s0 =	sand.u32 $0x1, s1  }
0x8c: {  	s16 =	sshll.u32 s0, $0xA;
	s2 =	sadd.s32 s3, s2  }
0x8d: {  	s2 =	sadd.s32 s2, s16  }
0x8e: {  	[smem:$0x3FBF] =	sst s2  }
0x8f: {  	_ = 	snop  }
0x90: {  	(tm) =	ssettm $0x1  }
0x91: {  	s17 =	sld [smem:$0x3FFB];
	_ =	sdelay $0x3  }
0x92: {  	_ =	strace s17  }
0x93: {  	s2 =	sld [smem:$0x3FFC];
	_ =	sdelay $0x3  }
0x94: {  	_ =	strace s2  }
0x95: {  	s2 =	sld [smem:$0x3FFD];
	_ =	sdelay $0x3  }
0x96: {  	_ =	strace s2  }
0x97: {  	_ =	strace $0x8FFFFFFF  }
0x98: {  	s18 =	sld [smem:$0x3FDB];
	_ =	sdelay $0x1  }
0x99: {  	s19 =	simm.s32 $_scs_section_size  }
0x9a: {  	s4 =	simm.s32 $_size__tile_overlayer_lowered;
	s5 =	simm.s32 $_tile_overlayer_lowered  }
0x9b: {  	s22 =	simm.s32 $0x1BFF;
	s21 =	sshll.u32 s5, $0x1;
	s2 =	sadd.s32 s19, s18  }
0x9c: {  	s6 =	simm.s32 $0x0;
	s20 =	sshll.u32 s4, $0x1;
	s4 =	sadd.s32 s21, s2  }
0x9d: {  	[timem:s6], [sflag:s22] =	dma.local [hbm:s4], s20  }
0x9e: {  	_ =	swait.ge [sflag:s22], s20  }
0x9f: {  	s3 =	ssub.s32 $0x0, s20;
	[sflag:s22] =	ssyncset.done $0x0  }
0xa0: {  	[sflag:s22] =	ssyncadd.s32 s3;
	_ =	sdelay $0x1  }
0xa1: {  	s23 =	simm.s32 $0x1B8B  }
0xa2: {  	_ =	swait.ge [sflag:s23], $0x1  }
0xa3: {  	[sflag:s23] =	ssyncset.done $0x0  }
0xa4: {  	s25 =	simm.s32 $0x1B8E;
	s24 =	sld [smem:$0x3FFE];
	[sflag:s23] =	ssyncadd.s32 $0xFFFFFFFF  }
0xa5: {  	s26 =	simm.s32 $execute0_lowered;
	[smem:$0x3FD2] =	sst s25  }
0xa6: {  	s4 =	sshll.u32 s26, $0x1;
	_ =	strace $0x80000046;
	[dreg:$0x1] =	wrdreg $0xFFFFFFFF  }
0xa7: {  	s28 =	simm.s32 $_size_execute0_lowered;
	s2 =	sadd.s32 s2, s4;
	[dreg:$0x0] =	wrdreg $0x0  }
0xa8: {  	s4 =	sshll.u32 s28, $0x1;
	[dreg:$0x2] =	wrdreg s2  }
0xa9: {  	[dreg:$0x3] =	wrdreg s4  }
0xaa: {  	[dreg:$0x4] =	wrdreg $0xC0  }
0xab: {  	_ =	task [dreg:s6], $0x5FFFF  }
0xac: {  	[dreg:$0x1] =	wrdreg $0xFFFFFFFF  }
0xad: {  	[dreg:$0x0] =	wrdreg $0x60  }
0xae: {  	[dreg:$0x2] =	wrdreg s24  }
0xaf: {  	[dreg:$0x3] =	wrdreg $0x9  }
0xb0: {  	_ =	task.clear_ibuf [dreg:s6], $0x4FFFF;
	_ =	strace $0x90000046  }
0xb1: {  	s29 =	simm.s32 $0x9;
	_ =	strace $0x80000048  }
0xb2: {  	_ =	swait.ge [sflag:s29], $0x1  }
0xb3: {  	[sflag:s29] =	ssyncadd.s32 $0xFFFFFFFF  }
0xb4: {  	_ =	strace $0x90000048  }
0xb5: {  	_ =	sfence  }
0xb6: {  	s30 =	sld [smem:$0x0];
	_ =	sdelay $0x2  }
0xb7: {  	s31 =	sshll.u32 s1, $0xD;
	s1 =	sshrl.u32 s1, $0x2  }
0xb8: {  	s3 =	sand.u32 $0x4000, s31;
	s1 =	sadd.s32 s1, s30  }
0xb9: {  	s0 =	sor.u32 s3, s0;
	s1 =	sshll.u32 s1, $0x11  }
0xba: {  	s0 =	sor.u32 s1, s0  }
0xbb: {  	s0 =	sadd.s32 $0x8F2B, s0  }
0xbc: {  	[sflag:s0] =	ssyncadd.remote.s32 $0x1  }
0xbd: {  	_ =	sfence.sel $0xFFFF  }
0xbe: {  	[dreg:$0x0] =	wrdreg $0xFFFFFFFF;
	(pc) =	sbr.abs _section_cstart, $3  }
0xbf: {  	[dreg:$0x1] =	wrdreg $0xFFFFFFFF  }
0xc0: {  	_ =	task.clear_ibuf [dreg:s6], $0x2FFFF;
	_ =	strace $0x9FFFFFFF  }
0xc1: {  	(tm) =	ssettm $0x7FFFFFFF  }
tec
execute0_lowered:
.L_overlay_start_1:
0x0: {  	(tag) =	ssettag $0x1  }
0x1: {  	s0 =	srdreg.scid  }
0x2: {  	s2 =	sand.u32 $0x1, s0;
	s0 =	stileid.u32  }
0x3: {  	s3 =	sshll.u32 s0, $0x1;
	s4 =	ssub.s32 $0x0, s2  }
0x4: {  	p0 =	sne.s32 s3, s4  }
.Ltmp0:
0x5: {  	_ = 	snop;
	(pc) =	sbr.rel @p0 .LBB2_3-.Ltmp0, $3  }
0x6: {  	_ =	sdelay $0x1  }
0x7: {  	s5 =	rddreg [dreg:$0x0]  }
0x8: {  	s1 =	rddreg [dreg:$0x1];
	_ =	strace $0x80000047  }
0x9: {  	s6 =	ssub.s32 $0x2, s2  }
0xa: {  	s2 =	sadd.s32 $0x1C00, s5;
	s3 =	sadd.s32 $0x1E00, s5;
	s4 =	sadd.s32 $0x1A00, s5  }
0xb: {  	s5 =	sadd.s32 $0x2000, s5;
	s8 =	simm.s32 $0x1;
	s7 =	sshrl.u32 s6, $0x1  }
0xc: {  	s9 =	simm.s32 $0x800;
	s10 =	simm.s32 $0x1000;
	s6 =	ssub.s32 s6, s7  }
0xd: {  	v0 =	vimm.f32 $0.0e+00;
	s11 =	simm.s32 $0x1800;
	s7 =	simm.s32 $0x0;
	s6 =	smax.u32 s6, $0x1  }
.LBB2_2:
0xe: {  	[tilespmem:s7], [sflag:$0x1] =	stream.linear.gather [hbm4b:s2+s7], $0x800, $0x38;
	[tilespmem:$0x2000] =	vst v63  }
0xf: {  	_ =	swait.ge [sflag:s8], $0x800  }
0x10: {  	[sflag:s8] =	ssyncset.done $0x0  }
0x11: {  	[sflag:s8] =	ssyncadd.s32 $0xFFFFF800  }
0x12: {  	[tilespmem:s9], [sflag:$0x1] =	stream.linear.gather [hbm4b:s3+s7], $0x800, $0x38;
	[tilespmem:$0x2000] =	vst v63  }
0x13: {  	_ =	swait.ge [sflag:s8], $0x800  }
0x14: {  	[sflag:s8] =	ssyncset.done $0x0  }
0x15: {  	[sflag:s8] =	ssyncadd.s32 $0xFFFFF800  }
0x16: {  	[tilespmem:s10], [sflag:$0x1] =	stream.linear.gather [hbm4b:s4+s7], $0x800, $0x38;
	[tilespmem:$0x2000] =	vst v63  }
0x17: {  	_ =	swait.ge [sflag:s8], $0x800  }
0x18: {  	[sflag:s8] =	ssyncset.done $0x0  }
0x19: {  	[sflag:s8] =	ssyncadd.s32 $0xFFFFF800  }
0x1a: {  	v1 =	vld [tilespmem:$0x0]  }
0x1b: {  	v2 =	vld [tilespmem:$0x800];
	_ =	sdelay $0x1  }
0x1c: {  	v18 =	vld [tilespmem:$0x80]  }
0x1d: {  	v19 =	vld [tilespmem:$0x880]  }
0x1e: {  	v43 =	vld [tilespmem:$0x100]  }
0x1f: {  	v46 =	vld [tilespmem:$0x900];
	vm0 =	veq.s32 v1, v2  }
0x20: {  	vm4 =	veq.s32 v1, $0x0;
	vm1 =	veq.s32 v1, $0x1;
	vm2 =	veq.s32 v1, $0x2  }
0x21: {  	vm5 =	veq.s32 v2, $0x0;
	vm6 =	veq.s32 v2, $0x1;
	vm7 =	veq.s32 v2, $0x2  }
0x22: {  	vm8 =	veq.s32 v18, v19;
	vm9 =	veq.s32 v18, $0x0;
	vm10 =	veq.s32 v18, $0x1  }
0x23: {  	vm11 =	veq.s32 v18, $0x2;
	vm12 =	veq.s32 v19, $0x0;
	vm13 =	veq.s32 v19, $0x1  }
0x24: {  	vm14 =	veq.s32 v19, $0x2;
	vm15 =	veq.s32 v43, v46;
	v4 =	vsel vm0, $0x3F800000, v0  }
0x25: {  	v5 =	vsel vm4, $0x3F800000, v0;
	v6 =	vsel vm1, $0x3F800000, v0;
	v7 =	vsel vm2, $0x3F800000, v0  }
0x26: {  	v9 =	vsel vm5, $0x3F800000, v0;
	v11 =	vsel vm6, $0x3F800000, v0;
	v12 =	vsel vm7, $0x3F800000, v0  }
0x27: {  	v62 =	vsel vm8, $0x3F800000, v0;
	v20 =	vsel vm9, $0x3F800000, v0;
	v8 =	vmul.f32 v4, v5  }
0x28: {  	v1 =	vsub.f32 $1.000000000e+00, v4;
	v13 =	vmul.f32 v4, v6;
	v4 =	vmul.f32 v4, v7  }
0x29: {  	v21 =	vsel vm10, $0x3F800000, v0;
	v15 =	vmul.f32 v9, v5;
	v16 =	vmul.f32 v9, v6  }
0x2a: {  	v18 =	vsel vm11, $0x3F800000, v0;
	v17 =	vmul.f32 v11, v5;
	v61 =	vmul.f32 v11, v6  }
0x2b: {  	v24 =	vsel vm12, $0x3F800000, v0;
	v5 =	vmul.f32 v12, v5;
	v6 =	vmul.f32 v12, v6  }
0x2c: {  	v3 =	vld [tilespmem:$0x1000];
	v26 =	vsel vm13, $0x3F800000, v0;
	v23 =	vmul.f32 v62, v20;
	v25 =	vmul.f32 v62, v21  }
0x2d: {  	v28 =	vsel vm14, $0x3F800000, v0;
	v37 =	vmul.f32 v24, v20;
	v38 =	vmul.f32 v24, v21  }
0x2e: {  	v63 =	vld [tilespmem:$0x1080];
	v55 =	vsel vm15, $0x3F800000, v0;
	v39 =	vmul.f32 v24, v18;
	v42 =	vmul.f32 v26, v20  }
0x2f: {  	vm4 =	veq.s32 v43, $0x0;
	v44 =	vmul.f32 v26, v21;
	v45 =	vmul.f32 v26, v18  }
0x30: {  	v22 =	vsub.f32 $1.000000000e+00, v62;
	v20 =	vmul.f32 v28, v20;
	v50 =	vmul.f32 v28, v21  }
0x31: {  	v53 =	vmul.f32 v28, v18;
	v1 =	vmul.f32 v1, v3;
	v10 =	vsub.f32 $1.000000000e+00, v8  }
0x32: {  	v8 =	vmul.f32 v8, v3;
	v14 =	vsub.f32 $1.000000000e+00, v13;
	v13 =	vmul.f32 v13, v3  }
0x33: {  	v3 =	vmul.f32 v4, v3;
	v22 =	vmul.f32 v22, v63;
	v27 =	vsub.f32 $1.000000000e+00, v23  }
0x34: {  	v32 =	vsub.f32 $1.000000000e+00, v25;
	v23 =	vmul.f32 v23, v63;
	v25 =	vmul.f32 v25, v63  }
0x35: {  	vm5 =	veq.s32 v43, $0x1;
	v2 =	vmul.f32 v1, v9;
	v59 =	vmul.f32 v1, v11  }
0x36: {  	vm6 =	veq.s32 v43, $0x2;
	v60 =	vmul.f32 v1, v12;
	v15 =	vmul.f32 v1, v15  }
0x37: {  	v4 =	vsub.f32 $1.000000000e+00, v4;
	v16 =	vmul.f32 v1, v16;
	v9 =	vmul.f32 v9, v7  }
0x38: {  	vm7 =	veq.s32 v46, $0x0;
	v11 =	vmul.f32 v11, v7;
	v17 =	vmul.f32 v1, v17  }
0x39: {  	v3 =	vadd.f32 v3, v4;
	v4 =	vmul.f32 v1, v61;
	v5 =	vmul.f32 v1, v5  }
0x3a: {  	vm8 =	veq.s32 v46, $0x1;
	v7 =	vmul.f32 v12, v7;
	v6 =	vmul.f32 v1, v6  }
0x3b: {  	vm9 =	veq.s32 v46, $0x2;
	v12 =	vmul.f32 v62, v18;
	v33 =	vmul.f32 v22, v24  }
0x3c: {  	v46 =	vld [tilespmem:$0x980];
	v56 =	vsel vm4, $0x3F800000, v0;
	v35 =	vmul.f32 v22, v26;
	v36 =	vmul.f32 v22, v28  }
0x3d: {  	v57 =	vsel vm5, $0x3F800000, v0;
	v19 =	vmul.f32 v22, v37;
	v40 =	vmul.f32 v22, v38  }
0x3e: {  	v58 =	vsel vm6, $0x3F800000, v0;
	v41 =	vmul.f32 v22, v39;
	v47 =	vmul.f32 v22, v44  }
0x3f: {  	v8 =	vadd.f32 v8, v10;
	v48 =	vmul.f32 v22, v45;
	v49 =	vmul.f32 v22, v20  }
0x40: {  	v13 =	vadd.f32 v13, v14;
	v52 =	vmul.f32 v22, v50;
	v61 =	vmul.f32 v55, v56  }
0x41: {  	v62 =	vmul.f32 v55, v57;
	v37 =	vsel vm9, $0x3F800000, v0;
	vm14 =	veq.s32 v46, $0x0  }
0x42: {  	vm15 =	veq.s32 v46, $0x1;
	vm4 =	veq.s32 v46, $0x2;
	v2 =	vadd.f32 $0.0e+00, v2  }
0x43: {  	v50 =	vmul.f32 v37, v58;
	v10 =	vadd.f32 $0.0e+00, v59;
	v14 =	vadd.f32 $0.0e+00, v60  }
0x44: {  	v15 =	vadd.f32 $0.0e+00, v15;
	v9 =	vmul.f32 v1, v9;
	v16 =	vadd.f32 $0.0e+00, v16  }
0x45: {  	v54 =	vld [tilespmem:$0x1100];
	v11 =	vmul.f32 v1, v11;
	v17 =	vadd.f32 $0.0e+00, v17;
	v4 =	vadd.f32 $0.0e+00, v4  }
0x46: {  	v1 =	vmul.f32 v1, v7;
	v5 =	vadd.f32 $0.0e+00, v5;
	v6 =	vadd.f32 $0.0e+00, v6  }
0x47: {  	v8 =	vmul.f32 v27, v8;
	v13 =	vmul.f32 v32, v13;
	v34 =	vsub.f32 $1.000000000e+00, v12  }
0x48: {  	v7 =	vmul.f32 v12, v63;
	v12 =	vmul.f32 v22, v42;
	v59 =	vsub.f32 $1.000000000e+00, v55  }
0x49: {  	v60 =	vsel vm7, $0x3F800000, v0;
	v63 =	vsel vm8, $0x3F800000, v0;
	v32 =	vsub.f32 $1.000000000e+00, v61  }
0x4a: {  	v24 =	vmul.f32 v62, v54;
	v9 =	vadd.f32 $0.0e+00, v9;
	v11 =	vadd.f32 $0.0e+00, v11  }
0x4b: {  	v38 =	vmul.f32 v60, v56;
	v1 =	vadd.f32 $0.0e+00, v1;
	v2 =	vadd.f32 v33, v2  }
0x4c: {  	v39 =	vmul.f32 v60, v57;
	v8 =	vadd.f32 v8, v23;
	v10 =	vadd.f32 v35, v10  }
0x4d: {  	v43 =	vmul.f32 v63, v56;
	v13 =	vadd.f32 v13, v25;
	v14 =	vadd.f32 v36, v14  }
0x4e: {  	v44 =	vld [tilespmem:$0x180];
	v45 =	vmul.f32 v63, v57;
	v15 =	vadd.f32 v19, v15;
	v16 =	vadd.f32 v40, v16  }
0x4f: {  	v3 =	vmul.f32 v34, v3;
	v12 =	vadd.f32 v12, v17;
	v4 =	vadd.f32 v47, v4  }
0x50: {  	v5 =	vadd.f32 v49, v5;
	v17 =	vmul.f32 v22, v53;
	v22 =	vmul.f32 v59, v54  }
0x51: {  	v6 =	vadd.f32 v52, v6;
	v19 =	vmul.f32 v55, v58;
	v23 =	vmul.f32 v61, v54  }
0x52: {  	v34 =	vsub.f32 $1.000000000e+00, v62;
	v25 =	vmul.f32 v63, v58;
	v49 =	vmul.f32 v37, v57  }
0x53: {  	vm10 =	veq.s32 v44, v46;
	vm11 =	veq.s32 v44, $0x0;
	vm12 =	veq.s32 v44, $0x1  }
0x54: {  	vm13 =	veq.s32 v44, $0x2;
	v33 =	vmul.f32 v22, v60;
	v8 =	vmul.f32 v32, v8  }
0x55: {  	v3 =	vadd.f32 v3, v7;
	v36 =	vmul.f32 v22, v63;
	v13 =	vmul.f32 v34, v13  }
0x56: {  	v7 =	vadd.f32 v41, v9;
	v40 =	vmul.f32 v22, v37;
	v18 =	vmul.f32 v19, v54  }
0x57: {  	v51 =	vadd.f32 v48, v11;
	v41 =	vmul.f32 v22, v38;
	v42 =	vmul.f32 v22, v39  }
0x58: {  	v1 =	vadd.f32 v17, v1;
	v17 =	vmul.f32 v60, v58;
	v47 =	vmul.f32 v22, v43  }
0x59: {  	v35 =	vsub.f32 $1.000000000e+00, v19;
	v48 =	vmul.f32 v22, v25;
	v11 =	vmul.f32 v37, v56  }
0x5a: {  	v53 =	vsel vm11, $0x3F800000, v0;
	v54 =	vsel vm12, $0x3F800000, v0;
	v58 =	vsel vm14, $0x3F800000, v0  }
0x5b: {  	v55 =	vsel vm13, $0x3F800000, v0;
	v60 =	vsel vm15, $0x3F800000, v0;
	v37 =	vmul.f32 v58, v54  }
0x5c: {  	v63 =	vsel vm4, $0x3F800000, v0;
	v38 =	vmul.f32 v58, v55;
	v44 =	vmul.f32 v60, v54  }
0x5d: {  	v25 =	vmul.f32 v60, v55;
	v2 =	vadd.f32 v33, v2;
	v8 =	vadd.f32 v8, v23  }
0x5e: {  	v21 =	vmul.f32 v63, v53;
	v10 =	vadd.f32 v36, v10;
	v13 =	vadd.f32 v13, v24  }
0x5f: {  	v3 =	vmul.f32 v35, v3;
	v14 =	vadd.f32 v40, v14;
	v15 =	vadd.f32 v41, v15  }
0x60: {  	v17 =	vmul.f32 v22, v17;
	v16 =	vadd.f32 v42, v16;
	v9 =	vadd.f32 v48, v51  }
0x61: {  	v52 =	vld [tilespmem:$0x1180];
	v11 =	vmul.f32 v22, v11;
	v51 =	vsel vm10, $0x3F800000, v0;
	v36 =	vmul.f32 v58, v53  }
0x62: {  	v43 =	vld [tilespmem:$0x200];
	v12 =	vadd.f32 v47, v12;
	v42 =	vmul.f32 v60, v53;
	v57 =	vmul.f32 v51, v53  }
0x63: {  	v56 =	vsub.f32 $1.000000000e+00, v51;
	v59 =	vmul.f32 v51, v54;
	v19 =	vmul.f32 v51, v55  }
0x64: {  	v3 =	vadd.f32 v3, v18;
	v18 =	vmul.f32 v22, v45;
	v7 =	vadd.f32 v17, v7  }
0x65: {  	v17 =	vmul.f32 v22, v49;
	v5 =	vadd.f32 v11, v5;
	v61 =	vsub.f32 $1.000000000e+00, v57  }
0x66: {  	v11 =	vmul.f32 v63, v54;
	v62 =	vsub.f32 $1.000000000e+00, v59;
	v33 =	vsub.f32 $1.000000000e+00, v19  }
0x67: {  	v24 =	vmul.f32 v59, v52;
	v19 =	vmul.f32 v19, v52;
	vm6 =	veq.s32 v43, $0x0  }
0x68: {  	vm7 =	veq.s32 v43, $0x1;
	vm8 =	veq.s32 v43, $0x2;
	v4 =	vadd.f32 v18, v4  }
0x69: {  	v18 =	vmul.f32 v22, v50;
	v6 =	vadd.f32 v17, v6;
	v22 =	vmul.f32 v57, v52  }
0x6a: {  	v45 =	vld [tilespmem:$0xA00];
	v17 =	vmul.f32 v63, v55;
	v51 =	vsel vm6, $0x3F800000, v0;
	v8 =	vmul.f32 v61, v8  }
0x6b: {  	v13 =	vmul.f32 v62, v13;
	v1 =	vadd.f32 v18, v1;
	v18 =	vmul.f32 v56, v52  }
0x6c: {  	v53 =	vsel vm8, $0x3F800000, v0;
	v3 =	vmul.f32 v33, v3;
	v52 =	vsel vm7, $0x3F800000, v0  }
0x6d: {  	v8 =	vadd.f32 v8, v22;
	v13 =	vadd.f32 v13, v24;
	v32 =	vmul.f32 v18, v58  }
0x6e: {  	v3 =	vadd.f32 v3, v19;
	v34 =	vmul.f32 v18, v60;
	v35 =	vmul.f32 v18, v63  }
0x6f: {  	vm5 =	veq.s32 v43, v45;
	v39 =	vmul.f32 v18, v36;
	v40 =	vmul.f32 v18, v37  }
0x70: {  	vm9 =	veq.s32 v45, $0x0;
	v41 =	vmul.f32 v18, v38;
	v20 =	vmul.f32 v18, v42  }
0x71: {  	vm10 =	veq.s32 v45, $0x1;
	v46 =	vmul.f32 v18, v44;
	v47 =	vmul.f32 v18, v25  }
0x72: {  	vm11 =	veq.s32 v45, $0x2;
	v48 =	vmul.f32 v18, v21;
	v11 =	vmul.f32 v18, v11  }
0x73: {  	v50 =	vsel vm5, $0x3F800000, v0;
	v17 =	vmul.f32 v18, v17;
	v55 =	vsel vm9, $0x3F800000, v0  }
0x74: {  	v58 =	vsel vm10, $0x3F800000, v0;
	v54 =	vsub.f32 $1.000000000e+00, v50;
	v56 =	vmul.f32 v50, v51  }
0x75: {  	v49 =	vld [tilespmem:$0x1200];
	v57 =	vmul.f32 v50, v52;
	v33 =	vmul.f32 v55, v51;
	v2 =	vadd.f32 v32, v2  }
0x76: {  	v38 =	vmul.f32 v58, v51;
	v10 =	vadd.f32 v34, v10;
	v14 =	vadd.f32 v35, v14  }
0x77: {  	v25 =	vmul.f32 v58, v53;
	v15 =	vadd.f32 v39, v15;
	v16 =	vadd.f32 v40, v16  }
0x78: {  	v7 =	vadd.f32 v41, v7;
	v12 =	vadd.f32 v20, v12;
	v20 =	vmul.f32 v50, v53  }
0x79: {  	v1 =	vadd.f32 v17, v1;
	v34 =	vmul.f32 v55, v52;
	v17 =	vmul.f32 v55, v53  }
0x7a: {  	v6 =	vadd.f32 v11, v6;
	v40 =	vmul.f32 v58, v52;
	v22 =	vmul.f32 v54, v49  }
0x7b: {  	v32 =	vsel vm11, $0x3F800000, v0;
	v23 =	vmul.f32 v56, v49;
	v24 =	vmul.f32 v57, v49  }
0x7c: {  	v59 =	vsub.f32 $1.000000000e+00, v56;
	v11 =	vmul.f32 v32, v51;
	v44 =	vmul.f32 v32, v52  }
0x7d: {  	v61 =	vsub.f32 $1.000000000e+00, v57;
	v45 =	vmul.f32 v32, v53;
	v19 =	vmul.f32 v20, v49  }
0x7e: {  	v4 =	vadd.f32 v46, v4;
	v60 =	vmul.f32 v22, v55;
	v8 =	vmul.f32 v59, v8  }
0x7f: {  	v9 =	vadd.f32 v47, v9;
	v63 =	vmul.f32 v22, v58;
	v13 =	vmul.f32 v61, v13  }
0x80: {  	v5 =	vadd.f32 v48, v5;
	v35 =	vmul.f32 v22, v32;
	v36 =	vmul.f32 v22, v33  }
0x81: {  	v39 =	vld [tilespmem:$0x280];
	v62 =	vsub.f32 $1.000000000e+00, v20;
	v37 =	vmul.f32 v22, v34;
	v17 =	vmul.f32 v22, v17  }
0x82: {  	v41 =	vld [tilespmem:$0xA80];
	v42 =	vmul.f32 v22, v38;
	v2 =	vadd.f32 v60, v2;
	v8 =	vadd.f32 v8, v23  }
0x83: {  	v43 =	vmul.f32 v22, v25;
	v10 =	vadd.f32 v63, v10;
	v13 =	vadd.f32 v13, v24  }
0x84: {  	v11 =	vmul.f32 v22, v11;
	v14 =	vadd.f32 v35, v14;
	v15 =	vadd.f32 v36, v15  }
0x85: {  	v18 =	vmul.f32 v22, v45;
	v16 =	vadd.f32 v37, v16;
	v7 =	vadd.f32 v17, v7  }
0x86: {  	v3 =	vmul.f32 v62, v3;
	v12 =	vadd.f32 v42, v12;
	v9 =	vadd.f32 v43, v9  }
0x87: {  	vm12 =	veq.s32 v39, v41;
	v17 =	vmul.f32 v22, v44;
	vm13 =	veq.s32 v39, $0x0  }
0x88: {  	vm14 =	veq.s32 v39, $0x1;
	v5 =	vadd.f32 v11, v5;
	vm15 =	veq.s32 v39, $0x2  }
0x89: {  	v1 =	vadd.f32 v18, v1;
	vm4 =	veq.s32 v41, $0x0;
	vm5 =	veq.s32 v41, $0x1  }
0x8a: {  	vm6 =	veq.s32 v41, $0x2;
	v3 =	vadd.f32 v3, v19;
	v19 =	vmul.f32 v22, v40  }
0x8b: {  	v46 =	vsel vm12, $0x3F800000, v0;
	v48 =	vsel vm13, $0x3F800000, v0;
	v49 =	vsel vm14, $0x3F800000, v0  }
0x8c: {  	v50 =	vsel vm15, $0x3F800000, v0;
	v53 =	vsel vm4, $0x3F800000, v0;
	v52 =	vmul.f32 v46, v48  }
0x8d: {  	v38 =	vld [tilespmem:$0xB00];
	v55 =	vsel vm5, $0x3F800000, v0;
	v54 =	vmul.f32 v46, v49;
	v63 =	vmul.f32 v53, v48  }
0x8e: {  	v47 =	vld [tilespmem:$0x1280];
	v58 =	vsel vm6, $0x3F800000, v0;
	v30 =	vmul.f32 v53, v49;
	v31 =	vmul.f32 v53, v50  }
0x8f: {  	v6 =	vadd.f32 v17, v6;
	v35 =	vmul.f32 v55, v48;
	v37 =	vmul.f32 v55, v49  }
0x90: {  	v51 =	vsub.f32 $1.000000000e+00, v46;
	v25 =	vmul.f32 v55, v50;
	v21 =	vmul.f32 v58, v48  }
0x91: {  	v11 =	vmul.f32 v58, v49;
	v17 =	vmul.f32 v58, v50;
	v4 =	vadd.f32 v19, v4  }
0x92: {  	v19 =	vmul.f32 v46, v50;
	vm11 =	veq.s32 v38, $0x0;
	vm12 =	veq.s32 v38, $0x1  }
0x93: {  	v36 =	vld [tilespmem:$0x300];
	vm13 =	veq.s32 v38, $0x2;
	v18 =	vmul.f32 v51, v47;
	v56 =	vsub.f32 $1.000000000e+00, v52  }
0x94: {  	v57 =	vsub.f32 $1.000000000e+00, v54;
	v22 =	vmul.f32 v52, v47;
	v24 =	vmul.f32 v54, v47  }
0x95: {  	v60 =	vsub.f32 $1.000000000e+00, v19;
	v19 =	vmul.f32 v19, v47;
	v8 =	vmul.f32 v56, v8  }
0x96: {  	v48 =	vsel vm11, $0x3F800000, v0;
	v59 =	vmul.f32 v18, v53;
	v13 =	vmul.f32 v57, v13  }
0x97: {  	v51 =	vsel vm12, $0x3F800000, v0;
	v61 =	vmul.f32 v18, v55;
	v62 =	vmul.f32 v18, v58  }
0x98: {  	vm7 =	veq.s32 v36, v38;
	v32 =	vmul.f32 v18, v63;
	v33 =	vmul.f32 v18, v30  }
0x99: {  	vm8 =	veq.s32 v36, $0x0;
	v34 =	vmul.f32 v18, v31;
	v20 =	vmul.f32 v18, v35  }
0x9a: {  	vm9 =	veq.s32 v36, $0x1;
	v39 =	vmul.f32 v18, v37;
	v40 =	vmul.f32 v18, v25  }
0x9b: {  	vm10 =	veq.s32 v36, $0x2;
	v41 =	vmul.f32 v18, v21;
	v11 =	vmul.f32 v18, v11  }
0x9c: {  	v43 =	vsel vm7, $0x3F800000, v0;
	v44 =	vsel vm8, $0x3F800000, v0;
	v17 =	vmul.f32 v18, v17  }
0x9d: {  	v45 =	vsel vm9, $0x3F800000, v0;
	v46 =	vsel vm10, $0x3F800000, v0;
	v3 =	vmul.f32 v60, v3  }
0x9e: {  	v57 =	vsel vm13, $0x3F800000, v0;
	v49 =	vmul.f32 v43, v44;
	v50 =	vmul.f32 v43, v45  }
0x9f: {  	v47 =	vsub.f32 $1.000000000e+00, v43;
	v58 =	vmul.f32 v48, v44;
	v63 =	vmul.f32 v51, v44  }
0xa0: {  	v31 =	vmul.f32 v51, v45;
	v2 =	vadd.f32 v59, v2;
	v8 =	vadd.f32 v8, v22  }
0xa1: {  	v42 =	vld [tilespmem:$0x1300];
	v25 =	vmul.f32 v51, v46;
	v10 =	vadd.f32 v61, v10;
	v13 =	vadd.f32 v13, v24  }
0xa2: {  	v35 =	vmul.f32 v57, v45;
	v14 =	vadd.f32 v62, v14;
	v15 =	vadd.f32 v32, v15  }
0xa3: {  	v36 =	vmul.f32 v57, v46;
	v16 =	vadd.f32 v33, v16;
	v7 =	vadd.f32 v34, v7  }
0xa4: {  	v12 =	vadd.f32 v20, v12;
	v6 =	vadd.f32 v11, v6;
	v20 =	vmul.f32 v43, v46  }
0xa5: {  	v1 =	vadd.f32 v17, v1;
	v59 =	vmul.f32 v48, v45;
	v17 =	vmul.f32 v48, v46  }
0xa6: {  	v11 =	vmul.f32 v57, v44;
	v3 =	vadd.f32 v3, v19;
	v22 =	vmul.f32 v47, v42  }
0xa7: {  	v52 =	vsub.f32 $1.000000000e+00, v49;
	v23 =	vmul.f32 v49, v42;
	v24 =	vmul.f32 v50, v42  }
0xa8: {  	v30 =	vld [tilespmem:$0x380];
	v54 =	vsub.f32 $1.000000000e+00, v50;
	v19 =	vmul.f32 v20, v42;
	v53 =	vmul.f32 v22, v48  }
0xa9: {  	v4 =	vadd.f32 v39, v4;
	v8 =	vmul.f32 v52, v8;
	v56 =	vmul.f32 v22, v51  }
0xaa: {  	v9 =	vadd.f32 v40, v9;
	v13 =	vmul.f32 v54, v13;
	v60 =	vmul.f32 v22, v57  }
0xab: {  	v5 =	vadd.f32 v41, v5;
	v61 =	vmul.f32 v22, v58;
	v62 =	vmul.f32 v22, v59  }
0xac: {  	v55 =	vsub.f32 $1.000000000e+00, v20;
	v17 =	vmul.f32 v22, v17;
	v33 =	vmul.f32 v22, v63  }
0xad: {  	v34 =	vmul.f32 v22, v25;
	v11 =	vmul.f32 v22, v11;
	vm15 =	veq.s32 v30, $0x0  }
0xae: {  	v32 =	vld [tilespmem:$0xB80];
	v18 =	vmul.f32 v22, v36;
	vm4 =	veq.s32 v30, $0x1;
	vm5 =	veq.s32 v30, $0x2  }
0xaf: {  	v3 =	vmul.f32 v55, v3;
	v2 =	vadd.f32 v53, v2;
	v8 =	vadd.f32 v8, v23  }
0xb0: {  	v39 =	vsel vm15, $0x3F800000, v0;
	v10 =	vadd.f32 v56, v10;
	v13 =	vadd.f32 v13, v24  }
0xb1: {  	v40 =	vsel vm4, $0x3F800000, v0;
	v14 =	vadd.f32 v60, v14;
	v15 =	vadd.f32 v61, v15  }
0xb2: {  	v41 =	vsel vm5, $0x3F800000, v0;
	v16 =	vadd.f32 v62, v16;
	v7 =	vadd.f32 v17, v7  }
0xb3: {  	v12 =	vadd.f32 v33, v12;
	v9 =	vadd.f32 v34, v9;
	vm14 =	veq.s32 v30, v32  }
0xb4: {  	v17 =	vmul.f32 v22, v35;
	v5 =	vadd.f32 v11, v5;
	v1 =	vadd.f32 v18, v1  }
0xb5: {  	vm6 =	veq.s32 v32, $0x0;
	vm7 =	veq.s32 v32, $0x1;
	vm8 =	veq.s32 v32, $0x2  }
0xb6: {  	v3 =	vadd.f32 v3, v19;
	v19 =	vmul.f32 v22, v31;
	v37 =	vsel vm14, $0x3F800000, v0  }
0xb7: {  	v44 =	vsel vm6, $0x3F800000, v0;
	v43 =	vmul.f32 v37, v39;
	v45 =	vmul.f32 v37, v40  }
0xb8: {  	v63 =	vld [tilespmem:$0xC00];
	v46 =	vsel vm7, $0x3F800000, v0;
	v54 =	vmul.f32 v44, v39;
	v55 =	vmul.f32 v44, v40  }
0xb9: {  	v38 =	vld [tilespmem:$0x1380];
	v49 =	vsel vm8, $0x3F800000, v0;
	v56 =	vmul.f32 v44, v41;
	v60 =	vmul.f32 v46, v39  }
0xba: {  	v6 =	vadd.f32 v17, v6;
	v62 =	vmul.f32 v46, v40;
	v25 =	vmul.f32 v46, v41  }
0xbb: {  	v42 =	vsub.f32 $1.000000000e+00, v37;
	v21 =	vmul.f32 v49, v39;
	v11 =	vmul.f32 v49, v40  }
0xbc: {  	v17 =	vmul.f32 v49, v41;
	v4 =	vadd.f32 v19, v4;
	v19 =	vmul.f32 v37, v41  }
0xbd: {  	v61 =	vld [tilespmem:$0x400];
	vm12 =	veq.s32 v63, $0x0;
	vm13 =	veq.s32 v63, $0x1;
	vm15 =	veq.s32 v63, $0x2  }
0xbe: {  	v18 =	vmul.f32 v42, v38;
	v47 =	vsub.f32 $1.000000000e+00, v43;
	v48 =	vsub.f32 $1.000000000e+00, v45  }
0xbf: {  	v22 =	vmul.f32 v43, v38;
	v24 =	vmul.f32 v45, v38;
	v40 =	vsel vm13, $0x3F800000, v0  }
0xc0: {  	v51 =	vsub.f32 $1.000000000e+00, v19;
	v19 =	vmul.f32 v19, v38;
	v8 =	vmul.f32 v47, v8  }
0xc1: {  	v26 =	vsel vm15, $0x3F800000, v0;
	v50 =	vmul.f32 v18, v44;
	v13 =	vmul.f32 v48, v13  }
0xc2: {  	vm9 =	veq.s32 v61, v63;
	v52 =	vmul.f32 v18, v46;
	v53 =	vmul.f32 v18, v49  }
0xc3: {  	vm10 =	veq.s32 v61, $0x0;
	v57 =	vmul.f32 v18, v54;
	v58 =	vmul.f32 v18, v55  }
0xc4: {  	vm11 =	veq.s32 v61, $0x1;
	v59 =	vmul.f32 v18, v56;
	v20 =	vmul.f32 v18, v60  }
0xc5: {  	v38 =	vsel vm12, $0x3F800000, v0;
	v29 =	vmul.f32 v18, v62;
	v30 =	vmul.f32 v18, v25  }
0xc6: {  	vm14 =	veq.s32 v61, $0x2;
	v31 =	vmul.f32 v18, v21;
	v11 =	vmul.f32 v18, v11  }
0xc7: {  	v17 =	vmul.f32 v18, v17;
	v33 =	vsel vm9, $0x3F800000, v0;
	v34 =	vsel vm10, $0x3F800000, v0  }
0xc8: {  	v37 =	vsel vm11, $0x3F800000, v0;
	v3 =	vmul.f32 v51, v3;
	v36 =	vmul.f32 v33, v34  }
0xc9: {  	v47 =	vsel vm14, $0x3F800000, v0;
	v42 =	vmul.f32 v33, v37;
	v44 =	vmul.f32 v38, v34  }
0xca: {  	v32 =	vld [tilespmem:$0x1400];
	v35 =	vsub.f32 $1.000000000e+00, v33;
	v46 =	vmul.f32 v38, v37;
	v49 =	vmul.f32 v40, v34  }
0xcb: {  	v51 =	vmul.f32 v40, v37;
	v2 =	vadd.f32 v50, v2;
	v8 =	vadd.f32 v8, v22  }
0xcc: {  	v25 =	vmul.f32 v40, v47;
	v10 =	vadd.f32 v52, v10;
	v13 =	vadd.f32 v13, v24  }
0xcd: {  	v21 =	vmul.f32 v26, v37;
	v14 =	vadd.f32 v53, v14;
	v15 =	vadd.f32 v57, v15  }
0xce: {  	v54 =	vmul.f32 v26, v47;
	v16 =	vadd.f32 v58, v16;
	v7 =	vadd.f32 v59, v7  }
0xcf: {  	v12 =	vadd.f32 v20, v12;
	v4 =	vadd.f32 v29, v4;
	v20 =	vmul.f32 v35, v32  }
0xd0: {  	v55 =	vmul.f32 v33, v47;
	v9 =	vadd.f32 v30, v9;
	v5 =	vadd.f32 v31, v5  }
0xd1: {  	v6 =	vadd.f32 v11, v6;
	v22 =	vmul.f32 v38, v47;
	v24 =	vmul.f32 v20, v44  }
0xd2: {  	v1 =	vadd.f32 v17, v1;
	v11 =	vmul.f32 v26, v34;
	v48 =	vmul.f32 v20, v46  }
0xd3: {  	v3 =	vadd.f32 v3, v19;
	v50 =	vmul.f32 v20, v22;
	v15 =	vadd.f32 v24, v15  }
0xd4: {  	[tilespmem:$0x1F80] =	vst v0;
	v39 =	vsub.f32 $1.000000000e+00, v36;
	v52 =	vmul.f32 v20, v51;
	v16 =	vadd.f32 v48, v16  }
0xd5: {  	v17 =	vmul.f32 v36, v32;
	v53 =	vmul.f32 v20, v25;
	v7 =	vadd.f32 v50, v7;
	[tilespmem:$0x1800] =	vst v15  }
0xd6: {  	v43 =	vsub.f32 $1.000000000e+00, v42;
	v11 =	vmul.f32 v20, v11;
	v4 =	vadd.f32 v52, v4;
	[tilespmem:$0x1880] =	vst v16  }
0xd7: {  	v57 =	vmul.f32 v42, v32;
	v56 =	vmul.f32 v20, v21;
	v9 =	vadd.f32 v53, v9;
	[tilespmem:$0x1900] =	vst v7  }
0xd8: {  	v59 =	vsub.f32 $1.000000000e+00, v55;
	v58 =	vmul.f32 v20, v54;
	v5 =	vadd.f32 v11, v5;
	[tilespmem:$0x1A00] =	vst v4  }
0xd9: {  	v41 =	vmul.f32 v20, v38;
	v8 =	vmul.f32 v39, v8;
	v6 =	vadd.f32 v56, v6;
	[tilespmem:$0x1A80] =	vst v9  }
0xda: {  	v62 =	vmul.f32 v55, v32;
	v13 =	vmul.f32 v43, v13;
	v1 =	vadd.f32 v58, v1;
	[tilespmem:$0x1B00] =	vst v5  }
0xdb: {  	v45 =	vmul.f32 v20, v40;
	v2 =	vadd.f32 v41, v2;
	v8 =	vadd.f32 v8, v17;
	[tilespmem:$0x1B80] =	vst v6  }
0xdc: {  	v61 =	vmul.f32 v20, v26;
	v24 =	vmul.f32 v20, v49;
	v60 =	vadd.f32 v13, v57;
	[tilespmem:$0x1C00] =	vst v1  }
0xdd: {  	v3 =	vmul.f32 v59, v3;
	v10 =	vadd.f32 v45, v10;
	v2 =	vadd.f32 v8, v2;
	[tilespmem:$0x1E00] =	vst v8  }
0xde: {  	v63 =	vadd.f32 v61, v14;
	v12 =	vadd.f32 v24, v12;
	[tilespmem:$0x1E80] =	vst v60  }
0xdf: {  	v1 =	vadd.f32 v3, v62;
	[tilespmem:$0x1C80] =	vst v2;
	v2 =	vadd.f32 v60, v10  }
0xe0: {  	[tilespmem:$0x1980] =	vst v12  }
0xe1: {  	[tilespmem:$0x1D00] =	vst v2;
	v2 =	vadd.f32 v1, v63  }
0xe2: {  	p0 =	sne.s32 s6, $0x1;
	[tilespmem:$0x1F00] =	vst v1  }
.Ltmp1:
0xe3: {  	[tilespmem:$0x1D80] =	vst v2;
	(pc) =	sbr.rel @p0 .LBB2_2-.Ltmp1, $4  }
0xe4: {  	[hbm4b:s5+s7] =	stream.linear.scatter [tilespmem:s11], [sflag:$0x1], $0x800, $0x38;
	[tilespmem:$0x2000] =	vst v63  }
0xe5: {  	_ =	swait.ge [sflag:s8], $0x800  }
0xe6: {  	[sflag:s8] =	ssyncset.done $0x0  }
0xe7: {  	s6 =	sadd.s32 $0xFFFFFFFF, s6;
	[sflag:s8] =	ssyncadd.s32 $0xFFFFF800  }
.LBB2_3:
0xe8: {  	_ =	sfence.sel $0x180000  }
0xe9: {  	[bflag:$0x0] =	sbarrier.arrive $0xFFFF  }
0xea: {  	p0 =	sne.s32 s0, $0x0;
	_ =	strace $0x90000047  }
0xeb: {  	s0 =	sadd.s32 @!p0 $0x100000, s1;
	[bflag:$0x2] =	sbarrier.arrive $0xFFFF  }
0xec: {  	[sflag:s0] =	ssyncadd.tile.s32 @!p0 $0x1;
	_ =	shalt  }
.Lfunc_end2:
_tile_overlayer_lowered:
.L_overlay_start_2:
0xed: {  	(tag) =	ssettag $0x2  }
0xee: {  	s0 =	rddreg [dreg:$0x0];
	s2 =	stileid.u32  }
0xef: {  	s1 =	rddreg [dreg:$0x1];
	p0 =	sne.s32 s2, $0x0  }
0xf0: {  	s3 =	rddreg [dreg:$0x2];
	[bflag:$0x3] =	sbarrier.arrive $0xFFFF;
	s2 =	simm.s32 @!p0 $0x1C01  }
0xf1: {  	[timem:s3], [sflag:s2] =	dma.local @!p0 [hbm:s0], s1  }
0xf2: {  	s0 =	simm.s32 @!p0 $0x1  }
0xf3: {  	_ =	swait.ge @!p0 [sflag:s0], s1  }
0xf4: {  	s1 =	ssub.s32 @!p0 $0x0, s1;
	[sflag:s0] =	ssyncset.done @!p0 $0x0  }
0xf5: {  	[sflag:s0] =	ssyncadd.s32 @!p0 s1  }
0xf6: {  	[bflag:$0x3] =	sbarrier.arrive $0xFFFF  }
0xf7: {  	_ =	shalt  }

</sc_bundles>
